<compile_context>
chip_gen: v7x
topology: tpu7x:2x2x1
jax: 0.10.2.dev20260603
libtpu: 0.0.44.dev20260713+nightly
codegen_flags: <defaults>
</compile_context>

<pallas_src>
import functools

import jax
import jax.numpy as jnp
from jax import lax
from jax.experimental import pallas as pl
from jax.experimental.pallas import tpu as pltpu
from jax.experimental.pallas import tpu_sc as plsc

N = 10000
E = 320000
D = 128
G = 64

CH = 128
ROWS = E // CH
RPT = 160
RLAST = ROWS - 15 * RPT
NB = N


def _hist_body(ei_hbm, iei_hbm, zeros_hbm, out_hbm,
               idx_v, ones_v, bins_sh, sem):
    c = lax.axis_index("c")
    s = lax.axis_index("s")

    def stage(src):
        @pl.when(s < 15)
        def _():
            pltpu.sync_copy(src.at[0, pl.ds(s * RPT, RPT)], idx_v)

        @pl.when(s == 15)
        def _():
            pltpu.sync_copy(src.at[0, pl.ds(15 * RPT, RLAST)],
                            idx_v.at[pl.ds(0, RLAST)])

    @pl.when(c == 0)
    def _():
        stage(ei_hbm)

    @pl.when(c == 1)
    def _():
        stage(iei_hbm)

    for i in range(CH // 16):
        ones_v[pl.ds(i * 16, 16)] = jnp.ones((16,), jnp.float32)

    @pl.when(s == 0)
    def _():
        pltpu.sync_copy(zeros_hbm, bins_sh)
    plsc.subcore_barrier()

    n_rows = jnp.where(s == 15, RLAST, RPT)

    def body(j, carry):
        pltpu.async_copy(ones_v, bins_sh.at[idx_v.at[j]], sem, add=True)
        return carry

    lax.fori_loop(0, n_rows, body, 0)

    def drain(j, carry):
        pltpu.make_async_copy(zeros_hbm.at[pl.ds(0, CH)], ones_v, sem).wait()
        return carry

    lax.fori_loop(0, n_rows, drain, 0)
    plsc.subcore_barrier()

    @pl.when(s == 0)
    def _():
        pltpu.sync_copy(bins_sh, out_hbm.at[c])


@functools.cache
def _hist_kernel():
    return pl.kernel(
        _hist_body,
        out_type=jax.ShapeDtypeStruct((2, NB), jnp.float32),
        mesh=plsc.VectorSubcoreMesh(core_axis_name="c", subcore_axis_name="s"),
        scratch_types=[
            pltpu.VMEM((RPT, CH), jnp.int32),
            pltpu.VMEM((CH,), jnp.float32),
            pltpu.VMEM_SHARED((NB,), jnp.float32),
            pltpu.SemaphoreType.DMA,
        ],
    )


_TDOT = (((1,), (1,)), ((), ()))


def _dense_body(x_ref, dege_ref, degi_ref, bat_ref,
                wu1_ref, bu1_ref, wu2_ref, bu2_ref,
                wu3_ref, bu3_ref, wu4_ref, bu4_ref,
                wf1_ref, bf1_ref, wf2_ref, bf2_ref, out_ref):
    x = x_ref[...]

    def conv(h, deg, wu_ref, bu_ref):
        wu = wu_ref[...]
        u = lax.dot_general(h, wu[:, :D], _TDOT,
                            preferred_element_type=jnp.float32)
        u = u + lax.dot_general(deg, wu[:, D:], _TDOT,
                                preferred_element_type=jnp.float32)
        u = u + bu_ref[...]
        u = jnp.maximum(u, 0.01 * u)
        e = jnp.exp(u)
        return e / jnp.sum(e, axis=1, keepdims=True)

    de = dege_ref[...]
    di = degi_ref[...]
    ext = conv(conv(x, de, wu1_ref, bu1_ref), de, wu2_ref, bu2_ref)
    itn = conv(conv(x, di, wu3_ref, bu3_ref), di, wu4_ref, bu4_ref)

    gids = lax.broadcasted_iota(jnp.int32, (G, 1), 0)
    pt = (bat_ref[...] == gids).astype(jnp.float32)
    cnt = jnp.dot(pt, jnp.ones((N, 1), jnp.float32),
                  preferred_element_type=jnp.float32)
    cnt = jnp.maximum(cnt, 1.0)
    ez = jnp.dot(pt, ext, preferred_element_type=jnp.float32) / cnt
    iz = jnp.dot(pt, itn, preferred_element_type=jnp.float32) / cnt

    wf1 = wf1_ref[...]
    z = (lax.dot_general(ez, wf1[:, :D], _TDOT,
                         preferred_element_type=jnp.float32)
         + lax.dot_general(iz, wf1[:, D:], _TDOT,
                           preferred_element_type=jnp.float32)
         + bf1_ref[...])
    z = jnp.maximum(z, 0.0)
    r = jnp.sum(z * wf2_ref[...], axis=1, keepdims=True)
    out_ref[...] = r + bf2_ref[0, 0]


def kernel(x, edge_index, edge_attr, internal_edge_index, internal_edge_attr,
           batch,
           wm_ext1, bm_ext1, wu_ext1, bu_ext1,
           wm_ext2, bm_ext2, wu_ext2, bu_ext2,
           wm_int1, bm_int1, wu_int1, bu_int1,
           wm_int2, bm_int2, wu_int2, bu_int2,
           w_fc1, b_fc1, w_fc2, b_fc2):
    ei3 = edge_index.reshape(2, ROWS, CH)
    iei3 = internal_edge_index.reshape(2, ROWS, CH)
    hists = _hist_kernel()(ei3, iei3, jnp.zeros((NB,), jnp.float32))
    degs = hists.reshape(2 * N, 1)

    def fullspec(shape):
        return pl.BlockSpec(shape, lambda i: (0,) * len(shape))

    return pl.pallas_call(
        _dense_body,
        grid=(1,),
        out_shape=jax.ShapeDtypeStruct((G, 1), jnp.float32),
        in_specs=[
            fullspec((N, D)),
            pl.BlockSpec((N, 1), lambda i: (0, 0)),
            pl.BlockSpec((N, 1), lambda i: (1, 0)),
            fullspec((1, N)),
            fullspec((D, D + 1)), fullspec((D,)),
            fullspec((D, D + 1)), fullspec((D,)),
            fullspec((D, D + 1)), fullspec((D,)),
            fullspec((D, D + 1)), fullspec((D,)),
            fullspec((D, 2 * D)), fullspec((D,)),
            fullspec((1, D)), fullspec((1, 1)),
        ],
        out_specs=fullspec((G, 1)),
    )(x, degs, degs, batch.reshape(1, N),
      wu_ext1, bu_ext1, wu_ext2, bu_ext2,
      wu_int1, bu_int1, wu_int2, bu_int2,
      w_fc1, b_fc1, w_fc2, b_fc2.reshape(1, 1))

# --- scband reference (transcript-rebuilt; emitter-appended) ---
"""Pipeline reference for scband-simple-net-22986664968457 (READ-ONLY COPY).

The authoritative reference and input builder live on the scoring server;
editing this copy changes nothing except your own understanding.
"""

import jax, jax.numpy as jnp
import numpy as np

N = 10000
E = 320000
D = 128
DE = 16
G = 64


def setup_inputs(seed: int = 0) -> dict:
    key = jax.random.key(seed)
    ks = jax.random.split(key, 24)
    inp = {}
    inp['x'] = jax.random.normal(ks[0], (N, D), dtype=jnp.float32)
    inp['edge_index'] = jax.random.randint(ks[1], (2, E), 0, N, dtype=jnp.int32)
    inp['edge_attr'] = jax.random.normal(ks[2], (E, DE), dtype=jnp.float32)
    inp['internal_edge_index'] = jax.random.randint(ks[3], (2, E), 0, N, dtype=jnp.int32)
    inp['internal_edge_attr'] = jax.random.normal(ks[4], (E, DE), dtype=jnp.float32)
    inp['batch'] = jnp.sort(jax.random.randint(ks[5], (N,), 0, G, dtype=jnp.int32))
    # parameters for 4 SimpleConvolutionNet blocks (torch Linear: y = x @ W.T + b)
    for i, name in enumerate(['ext1', 'ext2', 'int1', 'int2']):
        k0 = jax.random.fold_in(key, 100 + i)
        ka, kb, kc, kd = jax.random.split(k0, 4)
        inp['wm_' + name] = jax.random.normal(ka, (1, 2 * D + DE), dtype=jnp.float32) * 0.05
        inp['bm_' + name] = jax.random.normal(kb, (1,), dtype=jnp.float32) * 0.05
        inp['wu_' + name] = jax.random.normal(kc, (D, D + 1), dtype=jnp.float32) * 0.05
        inp['bu_' + name] = jax.random.normal(kd, (D,), dtype=jnp.float32) * 0.05
    inp['w_fc1'] = jax.random.normal(ks[6], (128, 2 * D), dtype=jnp.float32) * 0.05
    inp['b_fc1'] = jax.random.normal(ks[7], (128,), dtype=jnp.float32) * 0.05
    inp['w_fc2'] = jax.random.normal(ks[8], (1, 128), dtype=jnp.float32) * 0.05
    inp['b_fc2'] = jax.random.normal(ks[9], (1,), dtype=jnp.float32) * 0.05
    return inp


def _conv(x, edge_index, edge_attr, wm, bm, wu, bu):
    src = edge_index[0]
    dst = edge_index[1]
    x0 = jnp.take(x, src, axis=0)
    x1 = jnp.take(x, dst, axis=0)
    message_inputs = jnp.concatenate([x0, x1, edge_attr], axis=1)
    messages = message_inputs @ wm.T + bm
    messages = jax.nn.leaky_relu(messages, negative_slope=0.01)
    messages = jax.nn.softmax(messages, axis=1)
    node_messages = jax.ops.segment_sum(messages, src, num_segments=x.shape[0])
    update_inputs = jnp.concatenate([x, node_messages], axis=1)
    u = update_inputs @ wu.T + bu
    u = jax.nn.leaky_relu(u, negative_slope=0.01)
    u = jax.nn.softmax(u, axis=1)
    return u


def _scatter_mean(data, seg, num_segments):
    s = jax.ops.segment_sum(data, seg, num_segments=num_segments)
    cnt = jax.ops.segment_sum(jnp.ones((data.shape[0],), dtype=data.dtype), seg, num_segments=num_segments)
    cnt = jnp.clip(cnt, 1.0, None)
    return s / cnt[:, None]


def reference(x, edge_index, edge_attr, internal_edge_index, internal_edge_attr, batch,
              wm_ext1, bm_ext1, wu_ext1, bu_ext1,
              wm_ext2, bm_ext2, wu_ext2, bu_ext2,
              wm_int1, bm_int1, wu_int1, bu_int1,
              wm_int2, bm_int2, wu_int2, bu_int2,
              w_fc1, b_fc1, w_fc2, b_fc2):
    ext = _conv(x, edge_index, edge_attr, wm_ext1, bm_ext1, wu_ext1, bu_ext1)
    ext = _conv(ext, edge_index, edge_attr, wm_ext2, bm_ext2, wu_ext2, bu_ext2)
    itn = _conv(x, internal_edge_index, internal_edge_attr, wm_int1, bm_int1, wu_int1, bu_int1)
    itn = _conv(itn, internal_edge_index, internal_edge_attr, wm_int2, bm_int2, wu_int2, bu_int2)
    ez = _scatter_mean(ext, batch, G)
    iz = _scatter_mean(itn, batch, G)
    z = jnp.concatenate([ez, iz], axis=1)
    z = z @ w_fc1.T + b_fc1
    z = jax.nn.relu(z)
    z = z @ w_fc2.T + b_fc2
    return z

if __name__ == "__main__":
    import jax
    _d = setup_inputs()
    print(jax.jit(kernel)(*tuple(_d.values())))

</pallas_src>

<mosaic_0001>
#map = affine_map<(d0, d1) -> (0, 0, 0)>
#map1 = affine_map<(d0, d1) -> (0)>
#map2 = affine_map<(d0, d1) -> (0, 0)>
module attributes {stable_mosaic.version = 14 : i64} {
  func.func @_hist_body(%arg0: i32, %arg1: i32, %arg2: memref<2x2500x128xi32, #tpu.memory_space<hbm>>, %arg3: memref<2x2500x128xi32, #tpu.memory_space<hbm>>, %arg4: memref<10000xf32, #tpu.memory_space<hbm>>, %arg5: memref<2x10000xf32, #tpu.memory_space<hbm>>, %arg6: memref<160x128xi32, #tpu.memory_space<vmem>>, %arg7: memref<128xf32, #tpu.memory_space<vmem>>, %arg8: memref<10000xf32, #tpu.memory_space<vmem_shared>>, %arg9: memref<!tpu.dma_semaphore, #tpu.memory_space<semaphore_mem>>) attributes {dimension_semantics = [#tpu.dimension_semantics<core_parallel>, #tpu.dimension_semantics<subcore_parallel>], iteration_bounds = array<i64: 2, 16>, scalar_prefetch = 0 : i64, scratch_operands = 4 : i64, tpu.core_type = #tpu.core_type<sc_vector_subcore>, window_params = [{transform_indices = #map}, {transform_indices = #map}, {transform_indices = #map1}, {transform_indices = #map2}]} {
    %eq3A = arith.constant 0 : i32
    %eq3A_0 = arith.cmpi eq, %arg0, %eq3A : i32
    %convert_element_type3A = arith.extui %eq3A_0 : i1 to i32
    %cond3A = arith.constant 0 : i32
    %cond3A_1 = arith.cmpi ne, %convert_element_type3A, %cond3A : i32
    scf.if %cond3A_1 {
      %lt3A = arith.constant 15 : i32
      %lt3A_86 = arith.cmpi slt, %arg1, %lt3A : i32
      %convert_element_type3A_87 = arith.extui %lt3A_86 : i1 to i32
      %cond3A_88 = arith.constant 0 : i32
      %cond3A_89 = arith.cmpi ne, %convert_element_type3A_87, %cond3A_88 : i32
      scf.if %cond3A_89 {
        %mul3A = arith.constant 160 : i32
        %mul3A_95 = arith.muli %arg1, %mul3A : i32
        %run_scoped3A = arith.constant 0 : i32
        "tpu.region"() ({
          %run_scoped3A_96 = tpu.sem_alloc : memref<!tpu.dma_semaphore, #tpu.memory_space<semaphore_mem>>
          %dma_start3A = arith.constant 0 : i32
          %dma_start3A_97 = tpu.memref_slice %arg2[%run_scoped3A, %mul3A_95, %dma_start3A] : memref<2x2500x128xi32, #tpu.memory_space<hbm>> -> memref<1x160x128xi32, #tpu.memory_space<hbm>>
          %dma_start3A_98 = tpu.memref_squeeze %dma_start3A_97 : memref<1x160x128xi32, #tpu.memory_space<hbm>> -> memref<160x128xi32, #tpu.memory_space<hbm>>
          %dma_start3A_99 = arith.constant 0 : i32
          %dma_start3A_100 = tpu.memref_slice %arg2[%run_scoped3A, %mul3A_95, %dma_start3A_99] : memref<2x2500x128xi32, #tpu.memory_space<hbm>> -> memref<1x160x128xi32, #tpu.memory_space<hbm>>
          %dma_start3A_101 = tpu.memref_squeeze %dma_start3A_100 : memref<1x160x128xi32, #tpu.memory_space<hbm>> -> memref<160x128xi32, #tpu.memory_space<hbm>>
          tpu.enqueue_dma source(%dma_start3A_101 : memref<160x128xi32, #tpu.memory_space<hbm>>) target(%arg6 : memref<160x128xi32, #tpu.memory_space<vmem>>) target_semaphore(%run_scoped3A_96 : memref<!tpu.dma_semaphore, #tpu.memory_space<semaphore_mem>>)
          %dma_wait3A = arith.constant 0 : i32
          %dma_wait3A_102 = tpu.memref_slice %arg2[%run_scoped3A, %mul3A_95, %dma_wait3A] : memref<2x2500x128xi32, #tpu.memory_space<hbm>> -> memref<1x160x128xi32, #tpu.memory_space<hbm>>
          %dma_wait3A_103 = tpu.memref_squeeze %dma_wait3A_102 : memref<1x160x128xi32, #tpu.memory_space<hbm>> -> memref<160x128xi32, #tpu.memory_space<hbm>>
          %dma_wait3A_104 = arith.constant 0 : i32
          %dma_wait3A_105 = tpu.memref_slice %arg2[%run_scoped3A, %mul3A_95, %dma_wait3A_104] : memref<2x2500x128xi32, #tpu.memory_space<hbm>> -> memref<1x160x128xi32, #tpu.memory_space<hbm>>
          %dma_wait3A_106 = tpu.memref_squeeze %dma_wait3A_105 : memref<1x160x128xi32, #tpu.memory_space<hbm>> -> memref<160x128xi32, #tpu.memory_space<hbm>>
          tpu.wait_dma2 semaphore(%run_scoped3A_96 : memref<!tpu.dma_semaphore, #tpu.memory_space<semaphore_mem>>) src(%dma_wait3A_106 : memref<160x128xi32, #tpu.memory_space<hbm>>) dst(%arg6 : memref<160x128xi32, #tpu.memory_space<vmem>>)
          tpu.yield
        }) : () -> ()
      } else {
      }
      %eq3A_90 = arith.constant 15 : i32
      %eq3A_91 = arith.cmpi eq, %arg1, %eq3A_90 : i32
      %convert_element_type3A_92 = arith.extui %eq3A_91 : i1 to i32
      %cond3A_93 = arith.constant 0 : i32
      %cond3A_94 = arith.cmpi ne, %convert_element_type3A_92, %cond3A_93 : i32
      scf.if %cond3A_94 {
        %run_scoped3A = arith.constant 0 : i32
        "tpu.region"() ({
          %run_scoped3A_95 = tpu.sem_alloc : memref<!tpu.dma_semaphore, #tpu.memory_space<semaphore_mem>>
          %dma_start3A = arith.constant 0 : i32
          %dma_start3A_96 = arith.constant 0 : i32
          %dma_start3A_97 = tpu.memref_slice %arg6[%dma_start3A, %dma_start3A_96] : memref<160x128xi32, #tpu.memory_space<vmem>> -> memref<100x128xi32, #tpu.memory_space<vmem>>
          %dma_start3A_98 = arith.constant 2400 : i32
          %dma_start3A_99 = arith.constant 0 : i32
          %dma_start3A_100 = tpu.memref_slice %arg2[%run_scoped3A, %dma_start3A_98, %dma_start3A_99] : memref<2x2500x128xi32, #tpu.memory_space<hbm>> -> memref<1x100x128xi32, #tpu.memory_space<hbm>>
          %dma_start3A_101 = tpu.memref_squeeze %dma_start3A_100 : memref<1x100x128xi32, #tpu.memory_space<hbm>> -> memref<100x128xi32, #tpu.memory_space<hbm>>
          %dma_start3A_102 = arith.constant 0 : i32
          %dma_start3A_103 = arith.constant 0 : i32
          %dma_start3A_104 = tpu.memref_slice %arg6[%dma_start3A_102, %dma_start3A_103] : memref<160x128xi32, #tpu.memory_space<vmem>> -> memref<100x128xi32, #tpu.memory_space<vmem>>
          %dma_start3A_105 = arith.constant 2400 : i32
          %dma_start3A_106 = arith.constant 0 : i32
          %dma_start3A_107 = tpu.memref_slice %arg2[%run_scoped3A, %dma_start3A_105, %dma_start3A_106] : memref<2x2500x128xi32, #tpu.memory_space<hbm>> -> memref<1x100x128xi32, #tpu.memory_space<hbm>>
          %dma_start3A_108 = tpu.memref_squeeze %dma_start3A_107 : memref<1x100x128xi32, #tpu.memory_space<hbm>> -> memref<100x128xi32, #tpu.memory_space<hbm>>
          tpu.enqueue_dma source(%dma_start3A_108 : memref<100x128xi32, #tpu.memory_space<hbm>>) target(%dma_start3A_104 : memref<100x128xi32, #tpu.memory_space<vmem>>) target_semaphore(%run_scoped3A_95 : memref<!tpu.dma_semaphore, #tpu.memory_space<semaphore_mem>>)
          %dma_wait3A = arith.constant 0 : i32
          %dma_wait3A_109 = arith.constant 0 : i32
          %dma_wait3A_110 = tpu.memref_slice %arg6[%dma_wait3A, %dma_wait3A_109] : memref<160x128xi32, #tpu.memory_space<vmem>> -> memref<100x128xi32, #tpu.memory_space<vmem>>
          %dma_wait3A_111 = arith.constant 2400 : i32
          %dma_wait3A_112 = arith.constant 0 : i32
          %dma_wait3A_113 = tpu.memref_slice %arg2[%run_scoped3A, %dma_wait3A_111, %dma_wait3A_112] : memref<2x2500x128xi32, #tpu.memory_space<hbm>> -> memref<1x100x128xi32, #tpu.memory_space<hbm>>
          %dma_wait3A_114 = tpu.memref_squeeze %dma_wait3A_113 : memref<1x100x128xi32, #tpu.memory_space<hbm>> -> memref<100x128xi32, #tpu.memory_space<hbm>>
          %dma_wait3A_115 = arith.constant 0 : i32
          %dma_wait3A_116 = arith.constant 0 : i32
          %dma_wait3A_117 = tpu.memref_slice %arg6[%dma_wait3A_115, %dma_wait3A_116] : memref<160x128xi32, #tpu.memory_space<vmem>> -> memref<100x128xi32, #tpu.memory_space<vmem>>
          %dma_wait3A_118 = arith.constant 2400 : i32
          %dma_wait3A_119 = arith.constant 0 : i32
          %dma_wait3A_120 = tpu.memref_slice %arg2[%run_scoped3A, %dma_wait3A_118, %dma_wait3A_119] : memref<2x2500x128xi32, #tpu.memory_space<hbm>> -> memref<1x100x128xi32, #tpu.memory_space<hbm>>
          %dma_wait3A_121 = tpu.memref_squeeze %dma_wait3A_120 : memref<1x100x128xi32, #tpu.memory_space<hbm>> -> memref<100x128xi32, #tpu.memory_space<hbm>>
          tpu.wait_dma2 semaphore(%run_scoped3A_95 : memref<!tpu.dma_semaphore, #tpu.memory_space<semaphore_mem>>) src(%dma_wait3A_121 : memref<100x128xi32, #tpu.memory_space<hbm>>) dst(%dma_wait3A_117 : memref<100x128xi32, #tpu.memory_space<vmem>>)
          tpu.yield
        }) : () -> ()
      } else {
      }
    } else {
    }
    %eq3A_2 = arith.constant 1 : i32
    %eq3A_3 = arith.cmpi eq, %arg0, %eq3A_2 : i32
    %convert_element_type3A_4 = arith.extui %eq3A_3 : i1 to i32
    %cond3A_5 = arith.constant 0 : i32
    %cond3A_6 = arith.cmpi ne, %convert_element_type3A_4, %cond3A_5 : i32
    scf.if %cond3A_6 {
      %lt3A = arith.constant 15 : i32
      %lt3A_86 = arith.cmpi slt, %arg1, %lt3A : i32
      %convert_element_type3A_87 = arith.extui %lt3A_86 : i1 to i32
      %cond3A_88 = arith.constant 0 : i32
      %cond3A_89 = arith.cmpi ne, %convert_element_type3A_87, %cond3A_88 : i32
      scf.if %cond3A_89 {
        %mul3A = arith.constant 160 : i32
        %mul3A_95 = arith.muli %arg1, %mul3A : i32
        %run_scoped3A = arith.constant 0 : i32
        "tpu.region"() ({
          %run_scoped3A_96 = tpu.sem_alloc : memref<!tpu.dma_semaphore, #tpu.memory_space<semaphore_mem>>
          %dma_start3A = arith.constant 0 : i32
          %dma_start3A_97 = tpu.memref_slice %arg3[%run_scoped3A, %mul3A_95, %dma_start3A] : memref<2x2500x128xi32, #tpu.memory_space<hbm>> -> memref<1x160x128xi32, #tpu.memory_space<hbm>>
          %dma_start3A_98 = tpu.memref_squeeze %dma_start3A_97 : memref<1x160x128xi32, #tpu.memory_space<hbm>> -> memref<160x128xi32, #tpu.memory_space<hbm>>
          %dma_start3A_99 = arith.constant 0 : i32
          %dma_start3A_100 = tpu.memref_slice %arg3[%run_scoped3A, %mul3A_95, %dma_start3A_99] : memref<2x2500x128xi32, #tpu.memory_space<hbm>> -> memref<1x160x128xi32, #tpu.memory_space<hbm>>
          %dma_start3A_101 = tpu.memref_squeeze %dma_start3A_100 : memref<1x160x128xi32, #tpu.memory_space<hbm>> -> memref<160x128xi32, #tpu.memory_space<hbm>>
          tpu.enqueue_dma source(%dma_start3A_101 : memref<160x128xi32, #tpu.memory_space<hbm>>) target(%arg6 : memref<160x128xi32, #tpu.memory_space<vmem>>) target_semaphore(%run_scoped3A_96 : memref<!tpu.dma_semaphore, #tpu.memory_space<semaphore_mem>>)
          %dma_wait3A = arith.constant 0 : i32
          %dma_wait3A_102 = tpu.memref_slice %arg3[%run_scoped3A, %mul3A_95, %dma_wait3A] : memref<2x2500x128xi32, #tpu.memory_space<hbm>> -> memref<1x160x128xi32, #tpu.memory_space<hbm>>
          %dma_wait3A_103 = tpu.memref_squeeze %dma_wait3A_102 : memref<1x160x128xi32, #tpu.memory_space<hbm>> -> memref<160x128xi32, #tpu.memory_space<hbm>>
          %dma_wait3A_104 = arith.constant 0 : i32
          %dma_wait3A_105 = tpu.memref_slice %arg3[%run_scoped3A, %mul3A_95, %dma_wait3A_104] : memref<2x2500x128xi32, #tpu.memory_space<hbm>> -> memref<1x160x128xi32, #tpu.memory_space<hbm>>
          %dma_wait3A_106 = tpu.memref_squeeze %dma_wait3A_105 : memref<1x160x128xi32, #tpu.memory_space<hbm>> -> memref<160x128xi32, #tpu.memory_space<hbm>>
          tpu.wait_dma2 semaphore(%run_scoped3A_96 : memref<!tpu.dma_semaphore, #tpu.memory_space<semaphore_mem>>) src(%dma_wait3A_106 : memref<160x128xi32, #tpu.memory_space<hbm>>) dst(%arg6 : memref<160x128xi32, #tpu.memory_space<vmem>>)
          tpu.yield
        }) : () -> ()
      } else {
      }
      %eq3A_90 = arith.constant 15 : i32
      %eq3A_91 = arith.cmpi eq, %arg1, %eq3A_90 : i32
      %convert_element_type3A_92 = arith.extui %eq3A_91 : i1 to i32
      %cond3A_93 = arith.constant 0 : i32
      %cond3A_94 = arith.cmpi ne, %convert_element_type3A_92, %cond3A_93 : i32
      scf.if %cond3A_94 {
        %run_scoped3A = arith.constant 0 : i32
        "tpu.region"() ({
          %run_scoped3A_95 = tpu.sem_alloc : memref<!tpu.dma_semaphore, #tpu.memory_space<semaphore_mem>>
          %dma_start3A = arith.constant 0 : i32
          %dma_start3A_96 = arith.constant 0 : i32
          %dma_start3A_97 = tpu.memref_slice %arg6[%dma_start3A, %dma_start3A_96] : memref<160x128xi32, #tpu.memory_space<vmem>> -> memref<100x128xi32, #tpu.memory_space<vmem>>
          %dma_start3A_98 = arith.constant 2400 : i32
          %dma_start3A_99 = arith.constant 0 : i32
          %dma_start3A_100 = tpu.memref_slice %arg3[%run_scoped3A, %dma_start3A_98, %dma_start3A_99] : memref<2x2500x128xi32, #tpu.memory_space<hbm>> -> memref<1x100x128xi32, #tpu.memory_space<hbm>>
          %dma_start3A_101 = tpu.memref_squeeze %dma_start3A_100 : memref<1x100x128xi32, #tpu.memory_space<hbm>> -> memref<100x128xi32, #tpu.memory_space<hbm>>
          %dma_start3A_102 = arith.constant 0 : i32
          %dma_start3A_103 = arith.constant 0 : i32
          %dma_start3A_104 = tpu.memref_slice %arg6[%dma_start3A_102, %dma_start3A_103] : memref<160x128xi32, #tpu.memory_space<vmem>> -> memref<100x128xi32, #tpu.memory_space<vmem>>
          %dma_start3A_105 = arith.constant 2400 : i32
          %dma_start3A_106 = arith.constant 0 : i32
          %dma_start3A_107 = tpu.memref_slice %arg3[%run_scoped3A, %dma_start3A_105, %dma_start3A_106] : memref<2x2500x128xi32, #tpu.memory_space<hbm>> -> memref<1x100x128xi32, #tpu.memory_space<hbm>>
          %dma_start3A_108 = tpu.memref_squeeze %dma_start3A_107 : memref<1x100x128xi32, #tpu.memory_space<hbm>> -> memref<100x128xi32, #tpu.memory_space<hbm>>
          tpu.enqueue_dma source(%dma_start3A_108 : memref<100x128xi32, #tpu.memory_space<hbm>>) target(%dma_start3A_104 : memref<100x128xi32, #tpu.memory_space<vmem>>) target_semaphore(%run_scoped3A_95 : memref<!tpu.dma_semaphore, #tpu.memory_space<semaphore_mem>>)
          %dma_wait3A = arith.constant 0 : i32
          %dma_wait3A_109 = arith.constant 0 : i32
          %dma_wait3A_110 = tpu.memref_slice %arg6[%dma_wait3A, %dma_wait3A_109] : memref<160x128xi32, #tpu.memory_space<vmem>> -> memref<100x128xi32, #tpu.memory_space<vmem>>
          %dma_wait3A_111 = arith.constant 2400 : i32
          %dma_wait3A_112 = arith.constant 0 : i32
          %dma_wait3A_113 = tpu.memref_slice %arg3[%run_scoped3A, %dma_wait3A_111, %dma_wait3A_112] : memref<2x2500x128xi32, #tpu.memory_space<hbm>> -> memref<1x100x128xi32, #tpu.memory_space<hbm>>
          %dma_wait3A_114 = tpu.memref_squeeze %dma_wait3A_113 : memref<1x100x128xi32, #tpu.memory_space<hbm>> -> memref<100x128xi32, #tpu.memory_space<hbm>>
          %dma_wait3A_115 = arith.constant 0 : i32
          %dma_wait3A_116 = arith.constant 0 : i32
          %dma_wait3A_117 = tpu.memref_slice %arg6[%dma_wait3A_115, %dma_wait3A_116] : memref<160x128xi32, #tpu.memory_space<vmem>> -> memref<100x128xi32, #tpu.memory_space<vmem>>
          %dma_wait3A_118 = arith.constant 2400 : i32
          %dma_wait3A_119 = arith.constant 0 : i32
          %dma_wait3A_120 = tpu.memref_slice %arg3[%run_scoped3A, %dma_wait3A_118, %dma_wait3A_119] : memref<2x2500x128xi32, #tpu.memory_space<hbm>> -> memref<1x100x128xi32, #tpu.memory_space<hbm>>
          %dma_wait3A_121 = tpu.memref_squeeze %dma_wait3A_120 : memref<1x100x128xi32, #tpu.memory_space<hbm>> -> memref<100x128xi32, #tpu.memory_space<hbm>>
          tpu.wait_dma2 semaphore(%run_scoped3A_95 : memref<!tpu.dma_semaphore, #tpu.memory_space<semaphore_mem>>) src(%dma_wait3A_121 : memref<100x128xi32, #tpu.memory_space<hbm>>) dst(%dma_wait3A_117 : memref<100x128xi32, #tpu.memory_space<vmem>>)
          tpu.yield
        }) : () -> ()
      } else {
      }
    } else {
    }
    %broadcast_in_dim3A = arith.constant 1.000000e+00 : f32
    %broadcast_in_dim3A_7 = vector.broadcast %broadcast_in_dim3A : f32 to vector<16xf32>
    %swap3A = arith.constant 0 : index
    %swap3A_8 = tpu.vector_load %arg7[%swap3A] {strides = array<i32>} : memref<128xf32, #tpu.memory_space<vmem>>, vector<16xf32>,
    %swap3A_9 = vector.shape_cast %swap3A_8 : vector<16xf32> to vector<16xf32>
    %swap3A_10 = vector.shape_cast %broadcast_in_dim3A_7 : vector<16xf32> to vector<16xf32>
    tpu.vector_store %arg7[%swap3A], %swap3A_10 {strides = array<i32>} : memref<128xf32, #tpu.memory_space<vmem>>, vector<16xf32>,
    %broadcast_in_dim3A_11 = arith.constant 1.000000e+00 : f32
    %broadcast_in_dim3A_12 = vector.broadcast %broadcast_in_dim3A_11 : f32 to vector<16xf32>
    %swap3A_13 = arith.constant 16 : index
    %swap3A_14 = tpu.vector_load %arg7[%swap3A_13] {strides = array<i32>} : memref<128xf32, #tpu.memory_space<vmem>>, vector<16xf32>,
    %swap3A_15 = vector.shape_cast %swap3A_14 : vector<16xf32> to vector<16xf32>
    %swap3A_16 = vector.shape_cast %broadcast_in_dim3A_12 : vector<16xf32> to vector<16xf32>
    tpu.vector_store %arg7[%swap3A_13], %swap3A_16 {strides = array<i32>} : memref<128xf32, #tpu.memory_space<vmem>>, vector<16xf32>,
    %broadcast_in_dim3A_17 = arith.constant 1.000000e+00 : f32
    %broadcast_in_dim3A_18 = vector.broadcast %broadcast_in_dim3A_17 : f32 to vector<16xf32>
    %swap3A_19 = arith.constant 32 : index
    %swap3A_20 = tpu.vector_load %arg7[%swap3A_19] {strides = array<i32>} : memref<128xf32, #tpu.memory_space<vmem>>, vector<16xf32>,
    %swap3A_21 = vector.shape_cast %swap3A_20 : vector<16xf32> to vector<16xf32>
    %swap3A_22 = vector.shape_cast %broadcast_in_dim3A_18 : vector<16xf32> to vector<16xf32>
    tpu.vector_store %arg7[%swap3A_19], %swap3A_22 {strides = array<i32>} : memref<128xf32, #tpu.memory_space<vmem>>, vector<16xf32>,
    %broadcast_in_dim3A_23 = arith.constant 1.000000e+00 : f32
    %broadcast_in_dim3A_24 = vector.broadcast %broadcast_in_dim3A_23 : f32 to vector<16xf32>
    %swap3A_25 = arith.constant 48 : index
    %swap3A_26 = tpu.vector_load %arg7[%swap3A_25] {strides = array<i32>} : memref<128xf32, #tpu.memory_space<vmem>>, vector<16xf32>,
    %swap3A_27 = vector.shape_cast %swap3A_26 : vector<16xf32> to vector<16xf32>
    %swap3A_28 = vector.shape_cast %broadcast_in_dim3A_24 : vector<16xf32> to vector<16xf32>
    tpu.vector_store %arg7[%swap3A_25], %swap3A_28 {strides = array<i32>} : memref<128xf32, #tpu.memory_space<vmem>>, vector<16xf32>,
    %broadcast_in_dim3A_29 = arith.constant 1.000000e+00 : f32
    %broadcast_in_dim3A_30 = vector.broadcast %broadcast_in_dim3A_29 : f32 to vector<16xf32>
    %swap3A_31 = arith.constant 64 : index
    %swap3A_32 = tpu.vector_load %arg7[%swap3A_31] {strides = array<i32>} : memref<128xf32, #tpu.memory_space<vmem>>, vector<16xf32>,
    %swap3A_33 = vector.shape_cast %swap3A_32 : vector<16xf32> to vector<16xf32>
    %swap3A_34 = vector.shape_cast %broadcast_in_dim3A_30 : vector<16xf32> to vector<16xf32>
    tpu.vector_store %arg7[%swap3A_31], %swap3A_34 {strides = array<i32>} : memref<128xf32, #tpu.memory_space<vmem>>, vector<16xf32>,
    %broadcast_in_dim3A_35 = arith.constant 1.000000e+00 : f32
    %broadcast_in_dim3A_36 = vector.broadcast %broadcast_in_dim3A_35 : f32 to vector<16xf32>
    %swap3A_37 = arith.constant 80 : index
    %swap3A_38 = tpu.vector_load %arg7[%swap3A_37] {strides = array<i32>} : memref<128xf32, #tpu.memory_space<vmem>>, vector<16xf32>,
    %swap3A_39 = vector.shape_cast %swap3A_38 : vector<16xf32> to vector<16xf32>
    %swap3A_40 = vector.shape_cast %broadcast_in_dim3A_36 : vector<16xf32> to vector<16xf32>
    tpu.vector_store %arg7[%swap3A_37], %swap3A_40 {strides = array<i32>} : memref<128xf32, #tpu.memory_space<vmem>>, vector<16xf32>,
    %broadcast_in_dim3A_41 = arith.constant 1.000000e+00 : f32
    %broadcast_in_dim3A_42 = vector.broadcast %broadcast_in_dim3A_41 : f32 to vector<16xf32>
    %swap3A_43 = arith.constant 96 : index
    %swap3A_44 = tpu.vector_load %arg7[%swap3A_43] {strides = array<i32>} : memref<128xf32, #tpu.memory_space<vmem>>, vector<16xf32>,
    %swap3A_45 = vector.shape_cast %swap3A_44 : vector<16xf32> to vector<16xf32>
    %swap3A_46 = vector.shape_cast %broadcast_in_dim3A_42 : vector<16xf32> to vector<16xf32>
    tpu.vector_store %arg7[%swap3A_43], %swap3A_46 {strides = array<i32>} : memref<128xf32, #tpu.memory_space<vmem>>, vector<16xf32>,
    %broadcast_in_dim3A_47 = arith.constant 1.000000e+00 : f32
    %broadcast_in_dim3A_48 = vector.broadcast %broadcast_in_dim3A_47 : f32 to vector<16xf32>
    %swap3A_49 = arith.constant 112 : index
    %swap3A_50 = tpu.vector_load %arg7[%swap3A_49] {strides = array<i32>} : memref<128xf32, #tpu.memory_space<vmem>>, vector<16xf32>,
    %swap3A_51 = vector.shape_cast %swap3A_50 : vector<16xf32> to vector<16xf32>
    %swap3A_52 = vector.shape_cast %broadcast_in_dim3A_48 : vector<16xf32> to vector<16xf32>
    tpu.vector_store %arg7[%swap3A_49], %swap3A_52 {strides = array<i32>} : memref<128xf32, #tpu.memory_space<vmem>>, vector<16xf32>,
    %eq3A_53 = arith.constant 0 : i32
    %eq3A_54 = arith.cmpi eq, %arg1, %eq3A_53 : i32
    %convert_element_type3A_55 = arith.extui %eq3A_54 : i1 to i32
    %cond3A_56 = arith.constant 0 : i32
    %cond3A_57 = arith.cmpi ne, %convert_element_type3A_55, %cond3A_56 : i32
    scf.if %cond3A_57 {
      "tpu.region"() ({
        %run_scoped3A = tpu.sem_alloc : memref<!tpu.dma_semaphore, #tpu.memory_space<semaphore_mem>>
        tpu.enqueue_dma source(%arg4 : memref<10000xf32, #tpu.memory_space<hbm>>) target(%arg8 : memref<10000xf32, #tpu.memory_space<vmem_shared>>) target_semaphore(%run_scoped3A : memref<!tpu.dma_semaphore, #tpu.memory_space<semaphore_mem>>)
        tpu.wait_dma2 semaphore(%run_scoped3A : memref<!tpu.dma_semaphore, #tpu.memory_space<semaphore_mem>>) src(%arg4 : memref<10000xf32, #tpu.memory_space<hbm>>) dst(%arg8 : memref<10000xf32, #tpu.memory_space<vmem_shared>>)
        tpu.yield
      }) : () -> ()
    } else {
    }
    %barrier3A = arith.constant 0 : index
    tpu.barrier barrier_id(%barrier3A)
    %eq3A_58 = arith.constant 15 : i32
    %eq3A_59 = arith.cmpi eq, %arg1, %eq3A_58 : i32
    %jit3A = arith.constant 100 : i32
    %jit3A_60 = arith.constant 160 : i32
    %select_n3A = arith.select %eq3A_59, %jit3A, %jit3A_60 : i32
    %while3A = arith.constant 0 : i32
    %while3A_61 = arith.constant 0 : i32
    %while3A_62 = arith.subi %select_n3A, %while3A_61 : i32
    %while3A_63 = arith.addi %while3A_61, %while3A_62 : i32
    %while3A_64 = arith.constant 1 : i32
    %while3A_65 = arith.divsi %while3A_62, %while3A_64 : i32
    %while3A_66 = arith.muli %while3A_65, %while3A_64 : i32
    %while3A_67 = arith.addi %while3A_61, %while3A_66 : i32
    %while3A_68 = arith.constant 1 : i32
    scf.for %while3A_86 = %while3A_61 to %while3A_67 step %while3A_68  : i32 {
      %dma_start3A = arith.constant 0 : i32
      %dma_start3A_87 = tpu.memref_slice %arg6[%while3A_86, %dma_start3A] : memref<160x128xi32, #tpu.memory_space<vmem>> -> memref<1x128xi32, #tpu.memory_space<vmem>>
      %dma_start3A_88 = tpu.memref_squeeze %dma_start3A_87 : memref<1x128xi32, #tpu.memory_space<vmem>> -> memref<128xi32, #tpu.memory_space<vmem>>
      %dma_start3A_89 = arith.constant 0 : i32
      %dma_start3A_90 = tpu.memref_slice %arg8[%dma_start3A_89] : memref<10000xf32, #tpu.memory_space<vmem_shared>> -> memref<10000xf32, #tpu.memory_space<vmem_shared>>
      tpu.enqueue_indirect_dma source(%arg7 : memref<128xf32, #tpu.memory_space<vmem>>) target(%dma_start3A_90 : memref<10000xf32, #tpu.memory_space<vmem_shared>>) offsets(%dma_start3A_88 : memref<128xi32, #tpu.memory_space<vmem>>) semaphore(%arg9 : memref<!tpu.dma_semaphore, #tpu.memory_space<semaphore_mem>>) {add = true}
    }
    %while3A_69 = arith.constant 1 : i32
    scf.for %while3A_86 = %while3A_67 to %while3A_63 step %while3A_69  : i32 {
      %dma_start3A = arith.constant 0 : i32
      %dma_start3A_87 = tpu.memref_slice %arg6[%while3A_86, %dma_start3A] : memref<160x128xi32, #tpu.memory_space<vmem>> -> memref<1x128xi32, #tpu.memory_space<vmem>>
      %dma_start3A_88 = tpu.memref_squeeze %dma_start3A_87 : memref<1x128xi32, #tpu.memory_space<vmem>> -> memref<128xi32, #tpu.memory_space<vmem>>
      %dma_start3A_89 = arith.constant 0 : i32
      %dma_start3A_90 = tpu.memref_slice %arg8[%dma_start3A_89] : memref<10000xf32, #tpu.memory_space<vmem_shared>> -> memref<10000xf32, #tpu.memory_space<vmem_shared>>
      tpu.enqueue_indirect_dma source(%arg7 : memref<128xf32, #tpu.memory_space<vmem>>) target(%dma_start3A_90 : memref<10000xf32, #tpu.memory_space<vmem_shared>>) offsets(%dma_start3A_88 : memref<128xi32, #tpu.memory_space<vmem>>) semaphore(%arg9 : memref<!tpu.dma_semaphore, #tpu.memory_space<semaphore_mem>>) {add = true}
    }
    %while3A_70 = arith.constant 0 : i32
    %while3A_71 = arith.constant 0 : i32
    %while3A_72 = arith.subi %select_n3A, %while3A_71 : i32
    %while3A_73 = arith.addi %while3A_71, %while3A_72 : i32
    %while3A_74 = arith.constant 1 : i32
    %while3A_75 = arith.divsi %while3A_72, %while3A_74 : i32
    %while3A_76 = arith.muli %while3A_75, %while3A_74 : i32
    %while3A_77 = arith.addi %while3A_71, %while3A_76 : i32
    %while3A_78 = arith.constant 1 : i32
    scf.for %while3A_86 = %while3A_71 to %while3A_77 step %while3A_78  : i32 {
      %dma_wait3A = arith.constant 0 : i32
      %dma_wait3A_87 = tpu.memref_slice %arg4[%dma_wait3A] : memref<10000xf32, #tpu.memory_space<hbm>> -> memref<128xf32, #tpu.memory_space<hbm>>
      %dma_wait3A_88 = arith.constant 0 : i32
      %dma_wait3A_89 = tpu.memref_slice %arg4[%dma_wait3A_88] : memref<10000xf32, #tpu.memory_space<hbm>> -> memref<128xf32, #tpu.memory_space<hbm>>
      tpu.wait_dma2 semaphore(%arg9 : memref<!tpu.dma_semaphore, #tpu.memory_space<semaphore_mem>>) src(%dma_wait3A_89 : memref<128xf32, #tpu.memory_space<hbm>>) dst(%arg7 : memref<128xf32, #tpu.memory_space<vmem>>)
    }
    %while3A_79 = arith.constant 1 : i32
    scf.for %while3A_86 = %while3A_77 to %while3A_73 step %while3A_79  : i32 {
      %dma_wait3A = arith.constant 0 : i32
      %dma_wait3A_87 = tpu.memref_slice %arg4[%dma_wait3A] : memref<10000xf32, #tpu.memory_space<hbm>> -> memref<128xf32, #tpu.memory_space<hbm>>
      %dma_wait3A_88 = arith.constant 0 : i32
      %dma_wait3A_89 = tpu.memref_slice %arg4[%dma_wait3A_88] : memref<10000xf32, #tpu.memory_space<hbm>> -> memref<128xf32, #tpu.memory_space<hbm>>
      tpu.wait_dma2 semaphore(%arg9 : memref<!tpu.dma_semaphore, #tpu.memory_space<semaphore_mem>>) src(%dma_wait3A_89 : memref<128xf32, #tpu.memory_space<hbm>>) dst(%arg7 : memref<128xf32, #tpu.memory_space<vmem>>)
    }
    %barrier3A_80 = arith.constant 0 : index
    tpu.barrier barrier_id(%barrier3A_80)
    %eq3A_81 = arith.constant 0 : i32
    %eq3A_82 = arith.cmpi eq, %arg1, %eq3A_81 : i32
    %convert_element_type3A_83 = arith.extui %eq3A_82 : i1 to i32
    %cond3A_84 = arith.constant 0 : i32
    %cond3A_85 = arith.cmpi ne, %convert_element_type3A_83, %cond3A_84 : i32
    scf.if %cond3A_85 {
      "tpu.region"() ({
        %run_scoped3A = tpu.sem_alloc : memref<!tpu.dma_semaphore, #tpu.memory_space<semaphore_mem>>
        %dma_start3A = arith.constant 0 : i32
        %dma_start3A_86 = tpu.memref_slice %arg5[%arg0, %dma_start3A] : memref<2x10000xf32, #tpu.memory_space<hbm>> -> memref<1x10000xf32, #tpu.memory_space<hbm>>
        %dma_start3A_87 = tpu.memref_squeeze %dma_start3A_86 : memref<1x10000xf32, #tpu.memory_space<hbm>> -> memref<10000xf32, #tpu.memory_space<hbm>>
        tpu.enqueue_dma source(%arg8 : memref<10000xf32, #tpu.memory_space<vmem_shared>>) target(%dma_start3A_87 : memref<10000xf32, #tpu.memory_space<hbm>>) target_semaphore(%run_scoped3A : memref<!tpu.dma_semaphore, #tpu.memory_space<semaphore_mem>>)
        %dma_wait3A = arith.constant 0 : i32
        %dma_wait3A_88 = tpu.memref_slice %arg5[%arg0, %dma_wait3A] : memref<2x10000xf32, #tpu.memory_space<hbm>> -> memref<1x10000xf32, #tpu.memory_space<hbm>>
        %dma_wait3A_89 = tpu.memref_squeeze %dma_wait3A_88 : memref<1x10000xf32, #tpu.memory_space<hbm>> -> memref<10000xf32, #tpu.memory_space<hbm>>
        tpu.wait_dma2 semaphore(%run_scoped3A : memref<!tpu.dma_semaphore, #tpu.memory_space<semaphore_mem>>) src(%arg8 : memref<10000xf32, #tpu.memory_space<vmem_shared>>) dst(%dma_wait3A_89 : memref<10000xf32, #tpu.memory_space<hbm>>)
        tpu.yield
      }) : () -> ()
    } else {
    }
    return
  }
}

module attributes {stable_mosaic.version = 14 : i64} {
  func.func @_dense_body(%arg0: i32, %arg1: memref<10000x128xf32, #tpu.memory_space<vmem>>, %arg2: memref<10000x1xf32, #tpu.memory_space<vmem>>, %arg3: memref<10000x1xf32, #tpu.memory_space<vmem>>, %arg4: memref<1x10000xi32, #tpu.memory_space<vmem>>, %arg5: memref<128x129xf32, #tpu.memory_space<vmem>>, %arg6: memref<128xf32, #tpu.memory_space<vmem>>, %arg7: memref<128x129xf32, #tpu.memory_space<vmem>>, %arg8: memref<128xf32, #tpu.memory_space<vmem>>, %arg9: memref<128x129xf32, #tpu.memory_space<vmem>>, %arg10: memref<128xf32, #tpu.memory_space<vmem>>, %arg11: memref<128x129xf32, #tpu.memory_space<vmem>>, %arg12: memref<128xf32, #tpu.memory_space<vmem>>, %arg13: memref<128x256xf32, #tpu.memory_space<vmem>>, %arg14: memref<128xf32, #tpu.memory_space<vmem>>, %arg15: memref<1x128xf32, #tpu.memory_space<vmem>>, %arg16: memref<1x1xf32, #tpu.memory_space<vmem>>, %arg17: memref<64x1xf32, #tpu.memory_space<vmem>>) attributes {dimension_semantics = [#tpu.dimension_semantics<arbitrary>], iteration_bounds = array<i64: 1>, scalar_prefetch = 0 : i64, scratch_operands = 0 : i64, tpu.core_type = #tpu.core_type<tc>, window_params = [{pipeline_mode = #tpu.pipeline_mode<synchronous>, transform_indices = @transform_0, window_bounds = array<i64: 10000, 128>}, {transform_indices = @transform_1, window_bounds = array<i64: 10000, 1>}, {transform_indices = @transform_2, window_bounds = array<i64: 10000, 1>}, {pipeline_mode = #tpu.pipeline_mode<synchronous>, transform_indices = @transform_3, window_bounds = array<i64: 1, 10000>}, {pipeline_mode = #tpu.pipeline_mode<synchronous>, transform_indices = @transform_4, window_bounds = array<i64: 128, 129>}, {pipeline_mode = #tpu.pipeline_mode<synchronous>, transform_indices = @transform_5, window_bounds = array<i64: 128>}, {pipeline_mode = #tpu.pipeline_mode<synchronous>, transform_indices = @transform_6, window_bounds = array<i64: 128, 129>}, {pipeline_mode = #tpu.pipeline_mode<synchronous>, transform_indices = @transform_7, window_bounds = array<i64: 128>}, {pipeline_mode = #tpu.pipeline_mode<synchronous>, transform_indices = @transform_8, window_bounds = array<i64: 128, 129>}, {pipeline_mode = #tpu.pipeline_mode<synchronous>, transform_indices = @transform_9, window_bounds = array<i64: 128>}, {pipeline_mode = #tpu.pipeline_mode<synchronous>, transform_indices = @transform_10, window_bounds = array<i64: 128, 129>}, {pipeline_mode = #tpu.pipeline_mode<synchronous>, transform_indices = @transform_11, window_bounds = array<i64: 128>}, {pipeline_mode = #tpu.pipeline_mode<synchronous>, transform_indices = @transform_12, window_bounds = array<i64: 128, 256>}, {pipeline_mode = #tpu.pipeline_mode<synchronous>, transform_indices = @transform_13, window_bounds = array<i64: 128>}, {pipeline_mode = #tpu.pipeline_mode<synchronous>, transform_indices = @transform_14, window_bounds = array<i64: 1, 128>}, {pipeline_mode = #tpu.pipeline_mode<synchronous>, transform_indices = @transform_15, window_bounds = array<i64: 1, 1>}, {pipeline_mode = #tpu.pipeline_mode<synchronous>, transform_indices = @transform_16, window_bounds = array<i64: 64, 1>}]} {
    %get3A = arith.constant 0 : index
    %get3A_0 = arith.constant 0 : index
    %get3A_1 = vector.load %arg1[%get3A, %get3A_0] : memref<10000x128xf32, #tpu.memory_space<vmem>>, vector<10000x128xf32>
    %get3A_2 = arith.constant 0 : index
    %get3A_3 = arith.constant 0 : index
    %get3A_4 = vector.load %arg2[%get3A_2, %get3A_3] : memref<10000x1xf32, #tpu.memory_space<vmem>>, vector<10000x1xf32>
    %get3A_5 = arith.constant 0 : index
    %get3A_6 = arith.constant 0 : index
    %get3A_7 = vector.load %arg3[%get3A_5, %get3A_6] : memref<10000x1xf32, #tpu.memory_space<vmem>>, vector<10000x1xf32>
    %get3A_8 = arith.constant 0 : index
    %get3A_9 = arith.constant 0 : index
    %get3A_10 = vector.load %arg5[%get3A_8, %get3A_9] : memref<128x129xf32, #tpu.memory_space<vmem>>, vector<128x129xf32>
    %slice3A = vector.extract_strided_slice %get3A_10 {offsets = [0, 0], sizes = [128, 128], strides = [1, 1]} : vector<128x129xf32> to vector<128x128xf32>
    %dot_general3A = arith.constant dense<0.000000e+00> : vector<10000x128xf32>
    %dot_general3A_11 = tpu.matmul %get3A_1, %slice3A, %dot_general3A {dimension_numbers = #tpu.dot_dimension_numbers<[1], [1], [0], [0], [0, 0, 1, 0], [], []>, transpose_lhs_hint = false} : vector<10000x128xf32>, vector<128x128xf32>, vector<10000x128xf32> -> vector<10000x128xf32>
    %slice3A_12 = vector.extract_strided_slice %get3A_10 {offsets = [0, 128], sizes = [128, 1], strides = [1, 1]} : vector<128x129xf32> to vector<128x1xf32>
    %dot_general3A_13 = arith.constant dense<0.000000e+00> : vector<10000x128xf32>
    %dot_general3A_14 = tpu.matmul %get3A_4, %slice3A_12, %dot_general3A_13 {dimension_numbers = #tpu.dot_dimension_numbers<[1], [1], [0], [0], [0, 0, 1, 0], [], []>, transpose_lhs_hint = false} : vector<10000x1xf32>, vector<128x1xf32>, vector<10000x128xf32> -> vector<10000x128xf32>
    %add3A = arith.addf %dot_general3A_11, %dot_general3A_14 : vector<10000x128xf32>
    %get3A_15 = arith.constant 0 : index
    %get3A_16 = vector.load %arg6[%get3A_15] : memref<128xf32, #tpu.memory_space<vmem>>, vector<128xf32>
    %broadcast_in_dim3A = vector.shape_cast %get3A_16 : vector<128xf32> to vector<1x128xf32>
    %add3A_17 = vector.broadcast %broadcast_in_dim3A : vector<1x128xf32> to vector<10000x128xf32>
    %add3A_18 = arith.addf %add3A, %add3A_17 : vector<10000x128xf32>
    %mul3A = arith.constant 0.00999999977 : f32
    %mul3A_19 = vector.broadcast %mul3A : f32 to vector<10000x128xf32>
    %mul3A_20 = arith.mulf %mul3A_19, %add3A_18 : vector<10000x128xf32>
    %max3A = arith.maximumf %add3A_18, %mul3A_20 : vector<10000x128xf32>
    %exp3A = math.exp %max3A : vector<10000x128xf32>
    %reduce_sum3A = arith.constant dense<0.000000e+00> : vector<10000xf32>
    %reduce_sum3A_21 = vector.multi_reduction <add>, %exp3A, %reduce_sum3A [1] : vector<10000x128xf32> to vector<10000xf32>
    %broadcast_in_dim3A_22 = vector.shape_cast %reduce_sum3A_21 : vector<10000xf32> to vector<10000x1xf32>
    %div3A = vector.broadcast %broadcast_in_dim3A_22 : vector<10000x1xf32> to vector<10000x128xf32>
    %div3A_23 = arith.divf %exp3A, %div3A : vector<10000x128xf32>
    %get3A_24 = arith.constant 0 : index
    %get3A_25 = arith.constant 0 : index
    %get3A_26 = vector.load %arg7[%get3A_24, %get3A_25] : memref<128x129xf32, #tpu.memory_space<vmem>>, vector<128x129xf32>
    %slice3A_27 = vector.extract_strided_slice %get3A_26 {offsets = [0, 0], sizes = [128, 128], strides = [1, 1]} : vector<128x129xf32> to vector<128x128xf32>
    %dot_general3A_28 = arith.constant dense<0.000000e+00> : vector<10000x128xf32>
    %dot_general3A_29 = tpu.matmul %div3A_23, %slice3A_27, %dot_general3A_28 {dimension_numbers = #tpu.dot_dimension_numbers<[1], [1], [0], [0], [0, 0, 1, 0], [], []>, transpose_lhs_hint = false} : vector<10000x128xf32>, vector<128x128xf32>, vector<10000x128xf32> -> vector<10000x128xf32>
    %slice3A_30 = vector.extract_strided_slice %get3A_26 {offsets = [0, 128], sizes = [128, 1], strides = [1, 1]} : vector<128x129xf32> to vector<128x1xf32>
    %dot_general3A_31 = arith.constant dense<0.000000e+00> : vector<10000x128xf32>
    %dot_general3A_32 = tpu.matmul %get3A_4, %slice3A_30, %dot_general3A_31 {dimension_numbers = #tpu.dot_dimension_numbers<[1], [1], [0], [0], [0, 0, 1, 0], [], []>, transpose_lhs_hint = false} : vector<10000x1xf32>, vector<128x1xf32>, vector<10000x128xf32> -> vector<10000x128xf32>
    %add3A_33 = arith.addf %dot_general3A_29, %dot_general3A_32 : vector<10000x128xf32>
    %get3A_34 = arith.constant 0 : index
    %get3A_35 = vector.load %arg8[%get3A_34] : memref<128xf32, #tpu.memory_space<vmem>>, vector<128xf32>
    %broadcast_in_dim3A_36 = vector.shape_cast %get3A_35 : vector<128xf32> to vector<1x128xf32>
    %add3A_37 = vector.broadcast %broadcast_in_dim3A_36 : vector<1x128xf32> to vector<10000x128xf32>
    %add3A_38 = arith.addf %add3A_33, %add3A_37 : vector<10000x128xf32>
    %mul3A_39 = arith.constant 0.00999999977 : f32
    %mul3A_40 = vector.broadcast %mul3A_39 : f32 to vector<10000x128xf32>
    %mul3A_41 = arith.mulf %mul3A_40, %add3A_38 : vector<10000x128xf32>
    %max3A_42 = arith.maximumf %add3A_38, %mul3A_41 : vector<10000x128xf32>
    %exp3A_43 = math.exp %max3A_42 : vector<10000x128xf32>
    %reduce_sum3A_44 = arith.constant dense<0.000000e+00> : vector<10000xf32>
    %reduce_sum3A_45 = vector.multi_reduction <add>, %exp3A_43, %reduce_sum3A_44 [1] : vector<10000x128xf32> to vector<10000xf32>
    %broadcast_in_dim3A_46 = vector.shape_cast %reduce_sum3A_45 : vector<10000xf32> to vector<10000x1xf32>
    %div3A_47 = vector.broadcast %broadcast_in_dim3A_46 : vector<10000x1xf32> to vector<10000x128xf32>
    %div3A_48 = arith.divf %exp3A_43, %div3A_47 : vector<10000x128xf32>
    %get3A_49 = arith.constant 0 : index
    %get3A_50 = arith.constant 0 : index
    %get3A_51 = vector.load %arg9[%get3A_49, %get3A_50] : memref<128x129xf32, #tpu.memory_space<vmem>>, vector<128x129xf32>
    %slice3A_52 = vector.extract_strided_slice %get3A_51 {offsets = [0, 0], sizes = [128, 128], strides = [1, 1]} : vector<128x129xf32> to vector<128x128xf32>
    %dot_general3A_53 = arith.constant dense<0.000000e+00> : vector<10000x128xf32>
    %dot_general3A_54 = tpu.matmul %get3A_1, %slice3A_52, %dot_general3A_53 {dimension_numbers = #tpu.dot_dimension_numbers<[1], [1], [0], [0], [0, 0, 1, 0], [], []>, transpose_lhs_hint = false} : vector<10000x128xf32>, vector<128x128xf32>, vector<10000x128xf32> -> vector<10000x128xf32>
    %slice3A_55 = vector.extract_strided_slice %get3A_51 {offsets = [0, 128], sizes = [128, 1], strides = [1, 1]} : vector<128x129xf32> to vector<128x1xf32>
    %dot_general3A_56 = arith.constant dense<0.000000e+00> : vector<10000x128xf32>
    %dot_general3A_57 = tpu.matmul %get3A_7, %slice3A_55, %dot_general3A_56 {dimension_numbers = #tpu.dot_dimension_numbers<[1], [1], [0], [0], [0, 0, 1, 0], [], []>, transpose_lhs_hint = false} : vector<10000x1xf32>, vector<128x1xf32>, vector<10000x128xf32> -> vector<10000x128xf32>
    %add3A_58 = arith.addf %dot_general3A_54, %dot_general3A_57 : vector<10000x128xf32>
    %get3A_59 = arith.constant 0 : index
    %get3A_60 = vector.load %arg10[%get3A_59] : memref<128xf32, #tpu.memory_space<vmem>>, vector<128xf32>
    %broadcast_in_dim3A_61 = vector.shape_cast %get3A_60 : vector<128xf32> to vector<1x128xf32>
    %add3A_62 = vector.broadcast %broadcast_in_dim3A_61 : vector<1x128xf32> to vector<10000x128xf32>
    %add3A_63 = arith.addf %add3A_58, %add3A_62 : vector<10000x128xf32>
    %mul3A_64 = arith.constant 0.00999999977 : f32
    %mul3A_65 = vector.broadcast %mul3A_64 : f32 to vector<10000x128xf32>
    %mul3A_66 = arith.mulf %mul3A_65, %add3A_63 : vector<10000x128xf32>
    %max3A_67 = arith.maximumf %add3A_63, %mul3A_66 : vector<10000x128xf32>
    %exp3A_68 = math.exp %max3A_67 : vector<10000x128xf32>
    %reduce_sum3A_69 = arith.constant dense<0.000000e+00> : vector<10000xf32>
    %reduce_sum3A_70 = vector.multi_reduction <add>, %exp3A_68, %reduce_sum3A_69 [1] : vector<10000x128xf32> to vector<10000xf32>
    %broadcast_in_dim3A_71 = vector.shape_cast %reduce_sum3A_70 : vector<10000xf32> to vector<10000x1xf32>
    %div3A_72 = vector.broadcast %broadcast_in_dim3A_71 : vector<10000x1xf32> to vector<10000x128xf32>
    %div3A_73 = arith.divf %exp3A_68, %div3A_72 : vector<10000x128xf32>
    %get3A_74 = arith.constant 0 : index
    %get3A_75 = arith.constant 0 : index
    %get3A_76 = vector.load %arg11[%get3A_74, %get3A_75] : memref<128x129xf32, #tpu.memory_space<vmem>>, vector<128x129xf32>
    %slice3A_77 = vector.extract_strided_slice %get3A_76 {offsets = [0, 0], sizes = [128, 128], strides = [1, 1]} : vector<128x129xf32> to vector<128x128xf32>
    %dot_general3A_78 = arith.constant dense<0.000000e+00> : vector<10000x128xf32>
    %dot_general3A_79 = tpu.matmul %div3A_73, %slice3A_77, %dot_general3A_78 {dimension_numbers = #tpu.dot_dimension_numbers<[1], [1], [0], [0], [0, 0, 1, 0], [], []>, transpose_lhs_hint = false} : vector<10000x128xf32>, vector<128x128xf32>, vector<10000x128xf32> -> vector<10000x128xf32>
    %slice3A_80 = vector.extract_strided_slice %get3A_76 {offsets = [0, 128], sizes = [128, 1], strides = [1, 1]} : vector<128x129xf32> to vector<128x1xf32>
    %dot_general3A_81 = arith.constant dense<0.000000e+00> : vector<10000x128xf32>
    %dot_general3A_82 = tpu.matmul %get3A_7, %slice3A_80, %dot_general3A_81 {dimension_numbers = #tpu.dot_dimension_numbers<[1], [1], [0], [0], [0, 0, 1, 0], [], []>, transpose_lhs_hint = false} : vector<10000x1xf32>, vector<128x1xf32>, vector<10000x128xf32> -> vector<10000x128xf32>
    %add3A_83 = arith.addf %dot_general3A_79, %dot_general3A_82 : vector<10000x128xf32>
    %get3A_84 = arith.constant 0 : index
    %get3A_85 = vector.load %arg12[%get3A_84] : memref<128xf32, #tpu.memory_space<vmem>>, vector<128xf32>
    %broadcast_in_dim3A_86 = vector.shape_cast %get3A_85 : vector<128xf32> to vector<1x128xf32>
    %add3A_87 = vector.broadcast %broadcast_in_dim3A_86 : vector<1x128xf32> to vector<10000x128xf32>
    %add3A_88 = arith.addf %add3A_83, %add3A_87 : vector<10000x128xf32>
    %mul3A_89 = arith.constant 0.00999999977 : f32
    %mul3A_90 = vector.broadcast %mul3A_89 : f32 to vector<10000x128xf32>
    %mul3A_91 = arith.mulf %mul3A_90, %add3A_88 : vector<10000x128xf32>
    %max3A_92 = arith.maximumf %add3A_88, %mul3A_91 : vector<10000x128xf32>
    %exp3A_93 = math.exp %max3A_92 : vector<10000x128xf32>
    %reduce_sum3A_94 = arith.constant dense<0.000000e+00> : vector<10000xf32>
    %reduce_sum3A_95 = vector.multi_reduction <add>, %exp3A_93, %reduce_sum3A_94 [1] : vector<10000x128xf32> to vector<10000xf32>
    %broadcast_in_dim3A_96 = vector.shape_cast %reduce_sum3A_95 : vector<10000xf32> to vector<10000x1xf32>
    %div3A_97 = vector.broadcast %broadcast_in_dim3A_96 : vector<10000x1xf32> to vector<10000x128xf32>
    %div3A_98 = arith.divf %exp3A_93, %div3A_97 : vector<10000x128xf32>
    %iota3A = tpu.iota {dimensions = array<i32: 0>} : vector<64x1xi32>
    %get3A_99 = arith.constant 0 : index
    %get3A_100 = arith.constant 0 : index
    %get3A_101 = vector.load %arg4[%get3A_99, %get3A_100] : memref<1x10000xi32, #tpu.memory_space<vmem>>, vector<1x10000xi32>
    %eq3A = vector.broadcast %get3A_101 : vector<1x10000xi32> to vector<64x10000xi32>
    %eq3A_102 = vector.broadcast %iota3A : vector<64x1xi32> to vector<64x10000xi32>
    %eq3A_103 = arith.cmpi eq, %eq3A, %eq3A_102 : vector<64x10000xi32>
    %convert_element_type3A = arith.extui %eq3A_103 : vector<64x10000xi1> to vector<64x10000xi32>
    %convert_element_type3A_104 = arith.sitofp %convert_element_type3A : vector<64x10000xi32> to vector<64x10000xf32>
    %broadcast_in_dim3A_105 = arith.constant 1.000000e+00 : f32
    %broadcast_in_dim3A_106 = vector.broadcast %broadcast_in_dim3A_105 : f32 to vector<10000x1xf32>
    %dot_general3A_107 = arith.constant dense<0.000000e+00> : vector<64x1xf32>
    %dot_general3A_108 = tpu.matmul %convert_element_type3A_104, %broadcast_in_dim3A_106, %dot_general3A_107 {dimension_numbers = #tpu.dot_dimension_numbers<[1], [0], [0], [1], [0, 0, 1, 1], [], []>, transpose_lhs_hint = false} : vector<64x10000xf32>, vector<10000x1xf32>, vector<64x1xf32> -> vector<64x1xf32>
    %max3A_109 = arith.constant 1.000000e+00 : f32
    %max3A_110 = vector.broadcast %max3A_109 : f32 to vector<64x1xf32>
    %max3A_111 = arith.maximumf %dot_general3A_108, %max3A_110 : vector<64x1xf32>
    %dot_general3A_112 = arith.constant dense<0.000000e+00> : vector<64x128xf32>
    %dot_general3A_113 = tpu.matmul %convert_element_type3A_104, %div3A_48, %dot_general3A_112 {dimension_numbers = #tpu.dot_dimension_numbers<[1], [0], [0], [1], [0, 0, 1, 1], [], []>, transpose_lhs_hint = false} : vector<64x10000xf32>, vector<10000x128xf32>, vector<64x128xf32> -> vector<64x128xf32>
    %div3A_114 = vector.broadcast %max3A_111 : vector<64x1xf32> to vector<64x128xf32>
    %div3A_115 = arith.divf %dot_general3A_113, %div3A_114 : vector<64x128xf32>
    %dot_general3A_116 = arith.constant dense<0.000000e+00> : vector<64x128xf32>
    %dot_general3A_117 = tpu.matmul %convert_element_type3A_104, %div3A_98, %dot_general3A_116 {dimension_numbers = #tpu.dot_dimension_numbers<[1], [0], [0], [1], [0, 0, 1, 1], [], []>, transpose_lhs_hint = false} : vector<64x10000xf32>, vector<10000x128xf32>, vector<64x128xf32> -> vector<64x128xf32>
    %div3A_118 = vector.broadcast %max3A_111 : vector<64x1xf32> to vector<64x128xf32>
    %div3A_119 = arith.divf %dot_general3A_117, %div3A_118 : vector<64x128xf32>
    %get3A_120 = arith.constant 0 : index
    %get3A_121 = arith.constant 0 : index
    %get3A_122 = vector.load %arg13[%get3A_120, %get3A_121] : memref<128x256xf32, #tpu.memory_space<vmem>>, vector<128x256xf32>
    %slice3A_123 = vector.extract_strided_slice %get3A_122 {offsets = [0, 0], sizes = [128, 128], strides = [1, 1]} : vector<128x256xf32> to vector<128x128xf32>
    %dot_general3A_124 = arith.constant dense<0.000000e+00> : vector<64x128xf32>
    %dot_general3A_125 = tpu.matmul %div3A_115, %slice3A_123, %dot_general3A_124 {dimension_numbers = #tpu.dot_dimension_numbers<[1], [1], [0], [0], [0, 0, 1, 0], [], []>, transpose_lhs_hint = false} : vector<64x128xf32>, vector<128x128xf32>, vector<64x128xf32> -> vector<64x128xf32>
    %slice3A_126 = vector.extract_strided_slice %get3A_122 {offsets = [0, 128], sizes = [128, 128], strides = [1, 1]} : vector<128x256xf32> to vector<128x128xf32>
    %dot_general3A_127 = arith.constant dense<0.000000e+00> : vector<64x128xf32>
    %dot_general3A_128 = tpu.matmul %div3A_119, %slice3A_126, %dot_general3A_127 {dimension_numbers = #tpu.dot_dimension_numbers<[1], [1], [0], [0], [0, 0, 1, 0], [], []>, transpose_lhs_hint = false} : vector<64x128xf32>, vector<128x128xf32>, vector<64x128xf32> -> vector<64x128xf32>
    %add3A_129 = arith.addf %dot_general3A_125, %dot_general3A_128 : vector<64x128xf32>
    %get3A_130 = arith.constant 0 : index
    %get3A_131 = vector.load %arg14[%get3A_130] : memref<128xf32, #tpu.memory_space<vmem>>, vector<128xf32>
    %broadcast_in_dim3A_132 = vector.shape_cast %get3A_131 : vector<128xf32> to vector<1x128xf32>
    %add3A_133 = vector.broadcast %broadcast_in_dim3A_132 : vector<1x128xf32> to vector<64x128xf32>
    %add3A_134 = arith.addf %add3A_129, %add3A_133 : vector<64x128xf32>
    %max3A_135 = arith.constant 0.000000e+00 : f32
    %max3A_136 = vector.broadcast %max3A_135 : f32 to vector<64x128xf32>
    %max3A_137 = arith.maximumf %add3A_134, %max3A_136 : vector<64x128xf32>
    %get3A_138 = arith.constant 0 : index
    %get3A_139 = arith.constant 0 : index
    %get3A_140 = vector.load %arg15[%get3A_138, %get3A_139] : memref<1x128xf32, #tpu.memory_space<vmem>>, vector<1x128xf32>
    %mul3A_141 = vector.broadcast %get3A_140 : vector<1x128xf32> to vector<64x128xf32>
    %mul3A_142 = arith.mulf %max3A_137, %mul3A_141 : vector<64x128xf32>
    %reduce_sum3A_143 = arith.constant dense<0.000000e+00> : vector<64xf32>
    %reduce_sum3A_144 = vector.multi_reduction <add>, %mul3A_142, %reduce_sum3A_143 [1] : vector<64x128xf32> to vector<64xf32>
    %broadcast_in_dim3A_145 = vector.shape_cast %reduce_sum3A_144 : vector<64xf32> to vector<64x1xf32>
    %get3A_146 = arith.constant 0 : index
    %get3A_147 = arith.constant 0 : index
    %get3A_148 = vector.load %arg16[%get3A_146, %get3A_147] : memref<1x1xf32, #tpu.memory_space<vmem>>, vector<1x1xf32>
    %get3A_149 = vector.extract %get3A_148[0, 0] : f32 from vector<1x1xf32>
    %add3A_150 = vector.broadcast %get3A_149 : f32 to vector<64x1xf32>
    %add3A_151 = arith.addf %broadcast_in_dim3A_145, %add3A_150 : vector<64x1xf32>
    %swap3A = arith.constant 0 : index
    %swap3A_152 = arith.constant 0 : index
    %swap3A_153 = vector.load %arg17[%swap3A, %swap3A_152] : memref<64x1xf32, #tpu.memory_space<vmem>>, vector<64x1xf32>
    tpu.vector_store %arg17[%swap3A, %swap3A_152], %add3A_151 {strides = array<i32>} : memref<64x1xf32, #tpu.memory_space<vmem>>, vector<64x1xf32>,
    return
  }
  func.func @transform_0(%arg0: i32) -> (i32, i32) {
    %c0_i32 = arith.constant 0 : i32
    %c0_i32_0 = arith.constant 0 : i32
    %c0_i32_1 = arith.constant 0 : i32
    return %c0_i32, %c0_i32_0 : i32, i32
  }
  func.func @transform_1(%arg0: i32) -> (i32, i32) {
    %c0_i32 = arith.constant 0 : i32
    %c0_i32_0 = arith.constant 0 : i32
    %c0_i32_1 = arith.constant 0 : i32
    return %c0_i32, %c0_i32_0 : i32, i32
  }
  func.func @transform_2(%arg0: i32) -> (i32, i32) {
    %c1_i32 = arith.constant 1 : i32
    %c0_i32 = arith.constant 0 : i32
    %c0_i32_0 = arith.constant 0 : i32
    return %c1_i32, %c0_i32 : i32, i32
  }
  func.func @transform_3(%arg0: i32) -> (i32, i32) {
    %c0_i32 = arith.constant 0 : i32
    %c0_i32_0 = arith.constant 0 : i32
    %c0_i32_1 = arith.constant 0 : i32
    return %c0_i32, %c0_i32_0 : i32, i32
  }
  func.func @transform_4(%arg0: i32) -> (i32, i32) {
    %c0_i32 = arith.constant 0 : i32
    %c0_i32_0 = arith.constant 0 : i32
    %c0_i32_1 = arith.constant 0 : i32
    return %c0_i32, %c0_i32_0 : i32, i32
  }
  func.func @transform_5(%arg0: i32) -> i32 {
    %c0_i32 = arith.constant 0 : i32
    %c0_i32_0 = arith.constant 0 : i32
    return %c0_i32 : i32
  }
  func.func @transform_6(%arg0: i32) -> (i32, i32) {
    %c0_i32 = arith.constant 0 : i32
    %c0_i32_0 = arith.constant 0 : i32
    %c0_i32_1 = arith.constant 0 : i32
    return %c0_i32, %c0_i32_0 : i32, i32
  }
  func.func @transform_7(%arg0: i32) -> i32 {
    %c0_i32 = arith.constant 0 : i32
    %c0_i32_0 = arith.constant 0 : i32
    return %c0_i32 : i32
  }
  func.func @transform_8(%arg0: i32) -> (i32, i32) {
    %c0_i32 = arith.constant 0 : i32
    %c0_i32_0 = arith.constant 0 : i32
    %c0_i32_1 = arith.constant 0 : i32
    return %c0_i32, %c0_i32_0 : i32, i32
  }
  func.func @transform_9(%arg0: i32) -> i32 {
    %c0_i32 = arith.constant 0 : i32
    %c0_i32_0 = arith.constant 0 : i32
    return %c0_i32 : i32
  }
  func.func @transform_10(%arg0: i32) -> (i32, i32) {
    %c0_i32 = arith.constant 0 : i32
    %c0_i32_0 = arith.constant 0 : i32
    %c0_i32_1 = arith.constant 0 : i32
    return %c0_i32, %c0_i32_0 : i32, i32
  }
  func.func @transform_11(%arg0: i32) -> i32 {
    %c0_i32 = arith.constant 0 : i32
    %c0_i32_0 = arith.constant 0 : i32
    return %c0_i32 : i32
  }
  func.func @transform_12(%arg0: i32) -> (i32, i32) {
    %c0_i32 = arith.constant 0 : i32
    %c0_i32_0 = arith.constant 0 : i32
    %c0_i32_1 = arith.constant 0 : i32
    return %c0_i32, %c0_i32_0 : i32, i32
  }
  func.func @transform_13(%arg0: i32) -> i32 {
    %c0_i32 = arith.constant 0 : i32
    %c0_i32_0 = arith.constant 0 : i32
    return %c0_i32 : i32
  }
  func.func @transform_14(%arg0: i32) -> (i32, i32) {
    %c0_i32 = arith.constant 0 : i32
    %c0_i32_0 = arith.constant 0 : i32
    %c0_i32_1 = arith.constant 0 : i32
    return %c0_i32, %c0_i32_0 : i32, i32
  }
  func.func @transform_15(%arg0: i32) -> (i32, i32) {
    %c0_i32 = arith.constant 0 : i32
    %c0_i32_0 = arith.constant 0 : i32
    %c0_i32_1 = arith.constant 0 : i32
    return %c0_i32, %c0_i32_0 : i32, i32
  }
  func.func @transform_16(%arg0: i32) -> (i32, i32) {
    %c0_i32 = arith.constant 0 : i32
    %c0_i32_0 = arith.constant 0 : i32
    %c0_i32_1 = arith.constant 0 : i32
    return %c0_i32, %c0_i32_0 : i32, i32
  }
}

</mosaic_0001>

<sc_bundles>
// kernel: kernel.4.cloned.1.call-start
scs
__scs_entry_jumppad:
0x0: {  	(pc) =	sbr.rel $0x88, $3  }
0x1: {  	(tag) =	ssettag $0x0;
	lr =	simm.s32 $0x1  }
0x2: {  	[smem:$0x3F91] =	sst lr;
	_ =	strace $0xD0000000  }
0x3: {  	_ = 	snop  }
0x4: {  	_ = 	snop  }
0x5: {  	_ = 	snop  }
0x6: {  	_ = 	snop  }
0x7: {  	_ = 	snop  }
__scs_overlays_trampoline_lowered:
0x8: {  	[smem:$0x3FA0] =	sst s0  }
0x9: {  	[smem:$0x3FA1] =	sst s1  }
0xa: {  	[smem:$0x3FA2] =	sst s2  }
0xb: {  	[smem:$0x3FA3] =	sst s3  }
0xc: {  	[smem:$0x3FA4] =	sst s4  }
0xd: {  	[smem:$0x3FA5] =	sst s5  }
0xe: {  	[smem:$0x3FA6] =	sst s6  }
0xf: {  	[smem:$0x3FA7] =	sst s7  }
0x10: {  	[smem:$0x3FA8] =	sst s8  }
0x11: {  	[smem:$0x3FA9] =	sst s9;
	s0 =	simm.s32 @!p0 $0x0  }
0x12: {  	s1 =	sld [smem:$0x3F8F];
	s0 =	simm.s32 @p0 $0x1  }
0x13: {  	[smem:$0x3FAA] =	sst s0;
	s0 =	simm.s32 @!p1 $0x0  }
0x14: {  	s2 =	sld [smem:$0x3F8E];
	s0 =	simm.s32 @p1 $0x1  }
0x15: {  	[smem:$0x3FAB] =	sst s0;
	s0 =	simm.s32 @!p2 $0x0  }
0x16: {  	s3 =	sld [smem:$0x3FDB];
	s0 =	simm.s32 @p2 $0x1  }
0x17: {  	s4 =	simm.s32 $0x1BF5;
	[smem:$0x3FAD] =	sst s0  }
0x18: {  	s0 =	sld [smem:$0x3F90];
	_ =	swait.ge [sflag:s4], $0x0  }
0x19: {  	s7 =	sld [smem:$0x3F91]  }
0x1a: {  	s8 =	sadd.s32 $0xFFFFE003, lr  }
0x1b: {  	s9 =	sadd.s32 $0xFFFFFEF7, lr;
	s5 =	simm.s32 $0xFFFFFFFF;
	p2 =	slt.u32 s8, $0xFFFFF086  }
0x1c: {  	p1 =	slt.u32 s9, $0xF7A;
	s5 =	simm.s32 @!p2 $0x0  }
0x1d: {  	s5 =	simm.s32 @p1 $0x1;
	p0 =	seq.s32 s7, s2  }
0x1e: {  	s7 =	smul.u32 @!p0 $0xF7A, s2;
	p2 =	seq.s32 @!p0 s5, $0x0  }
0x1f: {  	s9 =	smul.u32 $0xF7A, s1;
	s8 =	simm.s32 @!p0 $0x1BF5;
	p2 =	por !p2, p0  }
0x20: {  	[sflag:s8] =	ssyncset.s32 @!p0 $0xFFFFF086;
	s6 =	sadd.s32 @!p0 s3, s7;
	s7 =	simm.s32 @!p0 $0x108  }
0x21: {  	s3 =	sadd.s32 s3, s9;
	s6 =	sadd.s32 @!p0 $0x88, s6;
	s7 =	simm.s32 @p2 $0x1082  }
0x22: {  	[simem:s7], [sflag:s8] =	dma.local @!p0 [hbm:s6], $0xF7A  }
0x23: {  	s9 =	sor.u32 $0xD0000000, s2;
	s6 =	simm.s32 $0x108;
	_ =	swait.ge @!p0 [sflag:s8], $0x0  }
0x24: {  	s3 =	sadd.s32 $0x88, s3;
	s6 =	simm.s32 @!p1 $0x1082;
	[sflag:s4] =	ssyncset.s32 $0xFFFFF086  }
0x25: {  	[simem:s6], [sflag:s4] =	dma.local [hbm:s3], $0xF7A  }
0x26: {  	[smem:$0x3F91] =	sst s1;
	(tag) =	ssettag s2;
	_ =	strace s9  }
0x27: {  	s1 =	sld [smem:$0x3FA1]  }
0x28: {  	s2 =	sld [smem:$0x3FA2]  }
0x29: {  	s4 =	sld [smem:$0x3FA4]  }
0x2a: {  	p0 =	seq.s32 s5, $0x0;
	s5 =	sld [smem:$0x3FA5]  }
0x2b: {  	s6 =	sld [smem:$0x3FA6]  }
0x2c: {  	s7 =	sld [smem:$0x3FA7]  }
0x2d: {  	s3 =	simm.s32 $0x108;
	s8 =	sld [smem:$0x3FA8]  }
0x2e: {  	s3 =	simm.s32 @!p0 $0x1082;
	s9 =	sld [smem:$0x3FA9]  }
0x2f: {  	lr =	sadd.s32 s0, s3;
	s0 =	sld [smem:$0x3FA0]  }
0x30: {  	s3 =	sld [smem:$0x3FA3]  }
0x31: {  	[smem:$0x3FAC] =	sst s10  }
0x32: {  	s10 =	sld [smem:$0x3FAA];
	_ =	sdelay $0x3  }
0x33: {  	p0 =	seq.s32 s10, $0x1;
	s10 =	sld [smem:$0x3FAC];
	_ =	sdelay $0x3  }
0x34: {  	[smem:$0x3FAC] =	sst s10  }
0x35: {  	s10 =	sld [smem:$0x3FAB];
	_ =	sdelay $0x3  }
0x36: {  	p1 =	seq.s32 s10, $0x1;
	s10 =	sld [smem:$0x3FAC];
	_ =	sdelay $0x3  }
0x37: {  	[smem:$0x3FAC] =	sst s10  }
0x38: {  	s10 =	sld [smem:$0x3FAD]  }
0x39: {  	_ = 	snop;
	(pc) =	sbr.ind lr, $3  }
0x3a: {  	_ = 	snop  }
0x3b: {  	_ = 	snop  }
0x3c: {  	p2 =	seq.s32 s10, $0x1;
	s10 =	sld [smem:$0x3FAC]  }
0x3d: {  	_ =	shalt  }
0x3e: {  	_ =	shalt  }
0x3f: {  	_ =	shalt  }
0x40: {  	_ =	shalt  }
0x41: {  	_ =	shalt  }
0x42: {  	_ =	shalt  }
0x43: {  	_ =	shalt  }
0x44: {  	_ =	shalt  }
0x45: {  	_ =	shalt  }
0x46: {  	_ =	shalt  }
0x47: {  	_ =	shalt  }
0x48: {  	_ =	shalt  }
0x49: {  	_ =	shalt  }
0x4a: {  	_ =	shalt  }
0x4b: {  	_ =	shalt  }
0x4c: {  	_ =	shalt  }
0x4d: {  	_ =	shalt  }
0x4e: {  	_ =	shalt  }
0x4f: {  	_ =	shalt  }
0x50: {  	_ =	shalt  }
0x51: {  	_ =	shalt  }
0x52: {  	_ =	shalt  }
0x53: {  	_ =	shalt  }
0x54: {  	_ =	shalt  }
0x55: {  	_ =	shalt  }
0x56: {  	_ =	shalt  }
0x57: {  	_ =	shalt  }
0x58: {  	_ =	shalt  }
0x59: {  	_ =	shalt  }
0x5a: {  	_ =	shalt  }
0x5b: {  	_ =	shalt  }
0x5c: {  	_ =	shalt  }
0x5d: {  	_ =	shalt  }
0x5e: {  	_ =	shalt  }
0x5f: {  	_ =	shalt  }
0x60: {  	_ =	shalt  }
0x61: {  	_ =	shalt  }
0x62: {  	_ =	shalt  }
0x63: {  	_ =	shalt  }
0x64: {  	_ =	shalt  }
0x65: {  	_ =	shalt  }
0x66: {  	_ =	shalt  }
0x67: {  	_ =	shalt  }
0x68: {  	_ =	shalt  }
0x69: {  	_ =	shalt  }
0x6a: {  	_ =	shalt  }
0x6b: {  	_ =	shalt  }
0x6c: {  	_ =	shalt  }
0x6d: {  	_ =	shalt  }
0x6e: {  	_ =	shalt  }
0x6f: {  	_ =	shalt  }
0x70: {  	_ =	shalt  }
0x71: {  	_ =	shalt  }
0x72: {  	_ =	shalt  }
0x73: {  	_ =	shalt  }
0x74: {  	_ =	shalt  }
0x75: {  	_ =	shalt  }
0x76: {  	_ =	shalt  }
0x77: {  	_ =	shalt  }
0x78: {  	_ =	shalt  }
0x79: {  	_ =	shalt  }
0x7a: {  	_ =	shalt  }
0x7b: {  	_ =	shalt  }
0x7c: {  	_ =	shalt  }
0x7d: {  	_ =	shalt  }
0x7e: {  	_ =	shalt  }
0x7f: {  	_ =	shalt  }
0x80: {  	_ =	shalt  }
0x81: {  	_ =	shalt  }
0x82: {  	_ =	shalt  }
0x83: {  	_ =	shalt  }
0x84: {  	_ =	shalt  }
0x85: {  	_ =	shalt  }
0x86: {  	_ =	shalt  }
0x87: {  	_ =	shalt  }
.Lfunc_end0:
.L_simem_size_0:
called_computation_lowered:
.L_overlay_start_0:
0x88: {  	s2 =	sld [smem:$0x3FD9]  }
0x89: {  	s3 =	sld [smem:$0x3FFE];
	_ =	sdelay $0x1  }
0x8a: {  	s1 =	srdreg.scid  }
0x8b: {  	s0 =	sand.u32 $0x1, s1  }
0x8c: {  	s16 =	sshll.u32 s0, $0xA;
	s2 =	sadd.s32 s3, s2  }
0x8d: {  	s2 =	sadd.s32 s2, s16  }
0x8e: {  	[smem:$0x3FB8] =	sst s2  }
0x8f: {  	_ = 	snop  }
0x90: {  	(tm) =	ssettm $0x1  }
0x91: {  	s17 =	sld [smem:$0x3FFB];
	_ =	sdelay $0x3  }
0x92: {  	_ =	strace s17  }
0x93: {  	s2 =	sld [smem:$0x3FFC];
	_ =	sdelay $0x3  }
0x94: {  	_ =	strace s2  }
0x95: {  	s2 =	sld [smem:$0x3FFD];
	_ =	sdelay $0x3  }
0x96: {  	_ =	strace s2  }
0x97: {  	_ =	strace $0x8FFFFFFF  }
0x98: {  	s18 =	sld [smem:$0x3FDB];
	_ =	sdelay $0x1  }
0x99: {  	s19 =	simm.s32 $_scs_section_size  }
0x9a: {  	s4 =	simm.s32 $_size__tile_overlayer_lowered;
	s5 =	simm.s32 $_tile_overlayer_lowered  }
0x9b: {  	s22 =	simm.s32 $0x1BFF;
	s21 =	sshll.u32 s5, $0x1;
	s2 =	sadd.s32 s19, s18  }
0x9c: {  	s6 =	simm.s32 $0x0;
	s20 =	sshll.u32 s4, $0x1;
	s4 =	sadd.s32 s21, s2  }
0x9d: {  	[timem:s6], [sflag:s22] =	dma.local [hbm:s4], s20  }
0x9e: {  	_ =	swait.ge [sflag:s22], s20  }
0x9f: {  	s3 =	ssub.s32 $0x0, s20;
	[sflag:s22] =	ssyncset.done $0x0  }
0xa0: {  	[sflag:s22] =	ssyncadd.s32 s3;
	_ =	sdelay $0x1  }
0xa1: {  	s23 =	simm.s32 $0x1B8B  }
0xa2: {  	_ =	swait.ge [sflag:s23], $0x1  }
0xa3: {  	[sflag:s23] =	ssyncset.done $0x0  }
0xa4: {  	s25 =	simm.s32 $0x1B8E;
	s24 =	sld [smem:$0x3FFE];
	[sflag:s23] =	ssyncadd.s32 $0xFFFFFFFF  }
0xa5: {  	s26 =	simm.s32 $execute0_lowered;
	[smem:$0x3FD2] =	sst s25  }
0xa6: {  	s4 =	sshll.u32 s26, $0x1;
	_ =	strace $0x80000046;
	[dreg:$0x1] =	wrdreg $0xFFFFFFFF  }
0xa7: {  	s28 =	simm.s32 $_size_execute0_lowered;
	s2 =	sadd.s32 s2, s4;
	[dreg:$0x0] =	wrdreg $0x0  }
0xa8: {  	s4 =	sshll.u32 s28, $0x1;
	[dreg:$0x2] =	wrdreg s2  }
0xa9: {  	[dreg:$0x3] =	wrdreg s4  }
0xaa: {  	[dreg:$0x4] =	wrdreg $0xC0  }
0xab: {  	_ =	task [dreg:s6], $0x5FFFF  }
0xac: {  	[dreg:$0x1] =	wrdreg $0xFFFFFFFF  }
0xad: {  	[dreg:$0x0] =	wrdreg $0x60  }
0xae: {  	[dreg:$0x2] =	wrdreg s24  }
0xaf: {  	[dreg:$0x3] =	wrdreg $0x50800  }
0xb0: {  	[dreg:$0x4] =	wrdreg $0x9  }
0xb1: {  	_ =	task.clear_ibuf [dreg:s6], $0x5FFFF;
	_ =	strace $0x90000046  }
0xb2: {  	s29 =	simm.s32 $0x9;
	_ =	strace $0x80000048  }
0xb3: {  	_ =	swait.ge [sflag:s29], $0x1  }
0xb4: {  	[sflag:s29] =	ssyncadd.s32 $0xFFFFFFFF  }
0xb5: {  	_ =	strace $0x90000048  }
0xb6: {  	_ =	sfence  }
0xb7: {  	s30 =	sld [smem:$0x0];
	_ =	sdelay $0x2  }
0xb8: {  	s31 =	sshll.u32 s1, $0xD;
	s1 =	sshrl.u32 s1, $0x2  }
0xb9: {  	s3 =	sand.u32 $0x4000, s31;
	s1 =	sadd.s32 s1, s30  }
0xba: {  	s0 =	sor.u32 s3, s0;
	s1 =	sshll.u32 s1, $0x11  }
0xbb: {  	s0 =	sor.u32 s1, s0  }
0xbc: {  	s0 =	sadd.s32 $0x8F2B, s0  }
0xbd: {  	[sflag:s0] =	ssyncadd.remote.s32 $0x1  }
0xbe: {  	_ =	sfence.sel $0xFFFF  }
0xbf: {  	[dreg:$0x0] =	wrdreg $0xFFFFFFFF;
	(pc) =	sbr.abs _section_cstart, $3  }
0xc0: {  	[dreg:$0x1] =	wrdreg $0xFFFFFFFF  }
0xc1: {  	_ =	task.clear_ibuf [dreg:s6], $0x2FFFF;
	_ =	strace $0x9FFFFFFF  }
0xc2: {  	(tm) =	ssettm $0x7FFFFFFF  }
0xc3: {  	_ =	shalt  }
tec
execute0_lowered:
.L_overlay_start_1:
0x0: {  	(tag) =	ssettag $0x1  }
0x1: {  	s7 =	rddreg [dreg:$0x0]  }
0x2: {  	s1 =	rddreg [dreg:$0x1]  }
0x3: {  	s0 =	rddreg [dreg:$0x2]  }
0x4: {  	s10 =	stileid.u32;
	s2 =	simm.s32 $0x0;
	s4 =	srdreg.scid  }
0x5: {  	s13 =	simm.s32 $0x5000;
	s14 =	simm.s32 $0x1;
	s15 =	simm.s32 $0x0  }
0x6: {  	s3 =	smul.u32 $0xA00, s10;
	[smem:$0x7FF] =	sst s2;
	s4 =	sand.u32 $0x1, s4  }
0x7: {  	p1 =	seq.s32 s10, $0xF;
	_ =	strace $0x80000047;
	s5 =	ssub.s32 $0x2, s4  }
0x8: {  	s8 =	sshll.u32 s4, $0x4;
	p0 =	seq.s32 s4, $0x1;
	s6 =	sadd.s32 s3, s7  }
0x9: {  	s3 =	sadd.s32 $0x29A00, s7;
	s9 =	sshrl.u32 s5, $0x1;
	s11 =	sadd.s32 s8, s7  }
0xa: {  	s8 =	simm.s32 $0x64;
	p2 =	seq.s32 @p0 s10, $0xF;
	p4 =	seq.s32 @!p0 s10, $0xF  }
0xb: {  	s12 =	ssub.s32 s5, s9;
	s4 =	sadd.s32 $0x2600, s6;
	s5 =	sadd.s32 $0xBC00, s7  }
0xc: {  	s6 =	sadd.s32 $0x16000, s6;
	s7 =	sadd.s32 $0x1F600, s7;
	s8 =	simm.s32 @!p1 $0xA0  }
0xd: {  	s9 =	sadd.s32 $0x2A000, s11;
	p1 =	por !p2, !p0;
	p2 =	por p2, !p0  }
0xe: {  	p3 =	por !p4, p0;
	p4 =	por p4, p0;
	p0 =	sne.s32 s10, $0x0  }
0xf: {  	v0 =	vimm.f32 $1.000000000e+00;
	s10 =	smax.u32 s12, $0x1;
	s11 =	sshrl.u32 @!p0 s1, $0x3;
	s12 =	simm.s32 $0x80  }
.LBB2_1:
0x10: {  	s16 =	simm.s32 @!p1 $0x0  }
0x11: {  	[tilespmem:s16], [sflag:$0x2] =	stream.linear.gather @!p1 [hbm4b:s7+s16], $0x3200, $0x38;
	[tilespmem:$0x52F8] =	vst v63  }
0x12: {  	s16 =	simm.s32 @!p1 $0x2  }
0x13: {  	_ =	swait.ge @!p1 [sflag:s16], $0x3200  }
0x14: {  	[sflag:s16] =	ssyncset.done @!p1 $0x0  }
0x15: {  	[sflag:s16] =	ssyncadd.s32 @!p1 $0xFFFFCE00;
	s16 =	simm.s32 @!p2 $0x0  }
0x16: {  	[tilespmem:s16], [sflag:$0x2] =	stream.linear.gather @!p2 [hbm4b:s6+s16], $0x5000, $0x38;
	[tilespmem:$0x52F8] =	vst v63  }
0x17: {  	s16 =	simm.s32 @!p2 $0x2  }
0x18: {  	_ =	swait.ge @!p2 [sflag:s16], $0x5000  }
0x19: {  	[sflag:s16] =	ssyncset.done @!p2 $0x0  }
0x1a: {  	[sflag:s16] =	ssyncadd.s32 @!p2 $0xFFFFB000;
	s16 =	simm.s32 @!p3 $0x0  }
0x1b: {  	[tilespmem:s16], [sflag:$0x2] =	stream.linear.gather @!p3 [hbm4b:s5+s16], $0x3200, $0x38;
	[tilespmem:$0x52F8] =	vst v63  }
0x1c: {  	s16 =	simm.s32 @!p3 $0x2  }
0x1d: {  	_ =	swait.ge @!p3 [sflag:s16], $0x3200  }
0x1e: {  	[sflag:s16] =	ssyncset.done @!p3 $0x0  }
0x1f: {  	[sflag:s16] =	ssyncadd.s32 @!p3 $0xFFFFCE00;
	s16 =	simm.s32 @!p4 $0x0  }
0x20: {  	[tilespmem:s16], [sflag:$0x2] =	stream.linear.gather @!p4 [hbm4b:s4+s16], $0x5000, $0x38;
	[tilespmem:$0x52F8] =	vst v63  }
0x21: {  	s16 =	simm.s32 @!p4 $0x2  }
0x22: {  	_ =	swait.ge @!p4 [sflag:s16], $0x5000  }
0x23: {  	[sflag:s16] =	ssyncset.done @!p4 $0x0  }
0x24: {  	[sflag:s16] =	ssyncadd.s32 @!p4 $0xFFFFB000  }
0x25: {  	[tilespmem:$0x5000] =	vst v0  }
0x26: {  	[tilespmem:$0x5010] =	vst v0  }
0x27: {  	[tilespmem:$0x5020] =	vst v0  }
0x28: {  	[tilespmem:$0x5030] =	vst v0  }
0x29: {  	[tilespmem:$0x5040] =	vst v0  }
0x2a: {  	[tilespmem:$0x5050] =	vst v0  }
0x2b: {  	[tilespmem:$0x5060] =	vst v0  }
0x2c: {  	s16 =	simm.s32 @!p0 $0x1C02;
	[tilespmem:$0x5070] =	vst v0  }
0x2d: {  	[spmem:s11], [sflag:s16] =	dma.local @!p0 [hbm:s3], $0x4F0  }
0x2e: {  	p5 =	sne.s32 s8, $0x1;
	s16 =	simm.s32 @!p0 $0x2  }
.Ltmp0:
0x2f: {  	_ =	swait.ge @!p0 [sflag:s16], $0x4F0;
	(pc) =	sbr.rel @!p5 .LBB2_3-.Ltmp0, $4  }
0x30: {  	[sflag:s16] =	ssyncset.done @!p0 $0x0  }
0x31: {  	[sflag:s16] =	ssyncadd.s32 @!p0 $0xFFFFFB10  }
0x32: {  	s17 =	simm.s32 $0x0;
	s16 =	sadd.s32 $0xFFFFFFFF, s8;
	[bflag:$0x0] =	sbarrier.arrive $0xFFFF  }
0x33: {  	[spmem:s1] =	stream.indirect.scatter.add.f32 [tilespmem:s13], [sflag:$0x1], $0x1, s2, s12, $0xb8;
	[tilespmem:$0x52F8] =	vst v63  }
.LBB2_2:
0x34: {  	p6 =	sne.s32 s16, $0x1  }
.Ltmp1:
0x35: {  	_ = 	snop;
	(pc) =	sbr.rel @p6 .LBB2_2-.Ltmp1, $3  }
0x36: {  	_ = 	snop  }
0x37: {  	s16 =	sadd.s32 $0xFFFFFFFF, s16;
	s17 =	sadd.s32 $0x80, s17;
	_ =	sdelay $0x1  }
0x38: {  	[spmem:s1] =	stream.indirect.scatter.add.f32 [tilespmem:s13], [sflag:$0x1], $0x1, s17, s12, $0xb8;
	[tilespmem:$0x52F8] =	vst v63  }
.LBB2_3:
.Ltmp2:
0x39: {  	(pc) =	sbr.rel @!p5 .LBB2_5-.Ltmp2, $3  }
0x3a: {  	_ =	sdelay $0x1  }
0x3b: {  	_ =	swait.ge [sflag:s14], $0x80  }
0x3c: {  	s16 =	sadd.s32 $0xFFFFFFFF, s8;
	[sflag:s14] =	ssyncset.done $0x0  }
.LBB2_4:
0x3d: {  	p5 =	sne.s32 s16, $0x1;
	s16 =	sadd.s32 $0xFFFFFFFF, s16;
	[sflag:s14] =	ssyncadd.s32 $0xFFFFFF80  }
.Ltmp3:
0x3e: {  	(pc) =	sbr.rel @p5 .LBB2_4-.Ltmp3, $3  }
0x3f: {  	_ =	sdelay $0x1  }
0x40: {  	_ =	swait.ge [sflag:s14], $0x80  }
0x41: {  	[sflag:s14] =	ssyncset.done $0x0  }
.LBB2_5:
0x42: {  	[sflag:s14] =	ssyncadd.s32 $0xFFFFFF80;
	s16 =	simm.s32 @!p0 $0x1  }
0x43: {  	s17 =	simm.s32 @!p0 $0x20;
	s18 =	simm.s32 @!p0 $0x10;
	s15 =	sadd.s32 $0x1, s15  }
0x44: {  	s19 =	simm.s32 @!p0 $0x1C02;
	[bflag:$0x0] =	sbarrier.arrive $0xFFFF;
	p5 =	sne.s32 s15, s10  }
0x45: {  	[hbm:s9@s17], [sflag:s19] =	dma.strided @!p0 [spmem:s11@s18], $0x4F0, s16, $0x10   }
.Ltmp4:
0x46: {  	_ = 	snop;
	(pc) =	sbr.rel @p5 .LBB2_1-.Ltmp4, $4  }
0x47: {  	s16 =	simm.s32 @!p0 $0x2  }
0x48: {  	_ =	swait.ge @!p0 [sflag:s16], $0x4F0  }
0x49: {  	[sflag:s16] =	ssyncset.done @!p0 $0x0  }
0x4a: {  	[sflag:s16] =	ssyncadd.s32 @!p0 $0xFFFFFB10  }
0x4b: {  	_ =	sfence.sel $0x180000  }
0x4c: {  	[bflag:$0x0] =	sbarrier.arrive $0xFFFF  }
0x4d: {  	_ =	strace $0x90000047  }
0x4e: {  	s0 =	sadd.s32 @!p0 $0x100000, s0;
	[bflag:$0x2] =	sbarrier.arrive $0xFFFF  }
0x4f: {  	[sflag:s0] =	ssyncadd.tile.s32 @!p0 $0x1;
	_ =	shalt  }
.Lfunc_end2:
_tile_overlayer_lowered:
.L_overlay_start_2:
0x50: {  	(tag) =	ssettag $0x2  }
0x51: {  	s0 =	rddreg [dreg:$0x0];
	s2 =	stileid.u32  }
0x52: {  	s1 =	rddreg [dreg:$0x1];
	p0 =	sne.s32 s2, $0x0  }
0x53: {  	s3 =	rddreg [dreg:$0x2];
	[bflag:$0x3] =	sbarrier.arrive $0xFFFF;
	s2 =	simm.s32 @!p0 $0x1C02  }
0x54: {  	[timem:s3], [sflag:s2] =	dma.local @!p0 [hbm:s0], s1  }
0x55: {  	s0 =	simm.s32 @!p0 $0x2  }
0x56: {  	_ =	swait.ge @!p0 [sflag:s0], s1  }
0x57: {  	s1 =	ssub.s32 @!p0 $0x0, s1;
	[sflag:s0] =	ssyncset.done @!p0 $0x0  }
0x58: {  	[sflag:s0] =	ssyncadd.s32 @!p0 s1  }
0x59: {  	[bflag:$0x3] =	sbarrier.arrive $0xFFFF  }
0x5a: {  	_ =	shalt  }

</sc_bundles>
